<compile_context>
chip_gen: v7x
topology: tpu7x:2x2x1
jax: 0.10.2.dev20260603
libtpu: 0.0.44.dev20260713+nightly
codegen_flags: <defaults>
</compile_context>

<pallas_src>
import functools

import jax
import jax.numpy as jnp
from jax import lax
from jax.experimental import pallas as pl
from jax.experimental.pallas import tpu as pltpu
from jax.experimental.pallas import tpu_sc as plsc

N = 10000
E = 320000
D = 128
NC = 2
NS = 16
NW = NC * NS
EPW = E // NW
CH = 100
NPASS = 4
CPP = EPW // (CH * NPASS)
ROWS_MAIN = 632
ROWS_LAST = N - (NS - 1) * ROWS_MAIN

_MESH = plsc.VectorSubcoreMesh(core_axis_name="c", subcore_axis_name="s")



@functools.partial(
    pl.kernel,
    mesh=_MESH,
    out_type=jax.ShapeDtypeStruct((NC, N), jnp.float32),
    scratch_types=[
        pltpu.VMEM((CPP, CH), jnp.int32),
        pltpu.VMEM((CH,), jnp.float32),
        pltpu.VMEM_SHARED((N,), jnp.float32),
        pltpu.SemaphoreType.DMA,
    ],
)
def _degree_kernel(src_hbm, zeros_hbm, out_hbm, idx_v, ones_v, deg_sh, sem):
    c = lax.axis_index("c")
    s = lax.axis_index("s")
    w = s * NC + c

    for j in range(CH // 16):
        ones_v[pl.ds(16 * j, 16)] = jnp.ones((16,), jnp.float32)
    ones_v[pl.ds(CH - 16, 16)] = jnp.ones((16,), jnp.float32)

    @pl.when(s == 0)
    def _():
        pltpu.sync_copy(zeros_hbm, deg_sh)

    plsc.subcore_barrier()

    def body(i, carry):
        pltpu.async_copy(ones_v, deg_sh.at[idx_v.at[i]], sem, add=True)
        return carry

    def one_pass(p, carry):
        pltpu.sync_copy(src_hbm.at[w, p], idx_v)
        lax.fori_loop(0, CPP, body, 0)

        def drain(i, c2):
            pltpu.make_async_copy(ones_v, deg_sh.at[idx_v.at[i]], sem).wait()
            return c2

        lax.fori_loop(0, CPP, drain, 0)
        return carry

    lax.fori_loop(0, NPASS, one_pass, 0)
    plsc.subcore_barrier()

    @pl.when(s == 0)
    def _():
        pltpu.sync_copy(deg_sh, out_hbm.at[c])



def _prescale_body(x_ref, d0_ref, d1_ref, z_ref):
    g = lax.rsqrt(d0_ref[...] + d1_ref[...])
    z_ref[...] = x_ref[...] * g


_prescale = pl.pallas_call(
    _prescale_body,
    out_shape=jax.ShapeDtypeStruct((N, D), jnp.float32),
)



@functools.partial(
    pl.kernel,
    mesh=_MESH,
    out_type=jax.ShapeDtypeStruct((NC, N, D), jnp.float32),
    scratch_types=[
        pltpu.VMEM((CPP, CH), jnp.int32),
        pltpu.VMEM((CPP, CH), jnp.int32),
        pltpu.VMEM((CH, D), jnp.float32),
        pltpu.VMEM((CH, D), jnp.float32),
        pltpu.VMEM((CH, D), jnp.float32),
        pltpu.VMEM_SHARED((N, D), jnp.float32),
        pltpu.SemaphoreType.DMA,
        pltpu.SemaphoreType.DMA,
        pltpu.SemaphoreType.DMA,
        pltpu.SemaphoreType.DMA,
        pltpu.SemaphoreType.DMA,
        pltpu.SemaphoreType.DMA,
    ],
)
def _aggregate_kernel(z_hbm, src_hbm, dst_hbm, zeros_hbm, out_hbm,
                      src_v, dst_v, rows0, rows1, rows2, acc_sh,
                      g0, g1, g2, s0, s1, s2):
    c = lax.axis_index("c")
    s = lax.axis_index("s")
    w = s * NC + c

    @pl.when(s < NS - 1)
    def _():
        pltpu.sync_copy(zeros_hbm.at[pl.ds(s * ROWS_MAIN, ROWS_MAIN)],
                        acc_sh.at[pl.ds(s * ROWS_MAIN, ROWS_MAIN)])

    @pl.when(s == NS - 1)
    def _():
        pltpu.sync_copy(zeros_hbm.at[pl.ds((NS - 1) * ROWS_MAIN, ROWS_LAST)],
                        acc_sh.at[pl.ds((NS - 1) * ROWS_MAIN, ROWS_LAST)])

    plsc.subcore_barrier()

    def gather_start(i, rows, sem):
        pltpu.async_copy(z_hbm.at[src_v.at[i]], rows, sem)

    def gather_wait(i, rows, sem):
        pltpu.make_async_copy(z_hbm.at[src_v.at[i]], rows, sem).wait()

    def scatter_start(i, rows, sem):
        pltpu.async_copy(rows, acc_sh.at[dst_v.at[i]], sem, add=True)

    def scatter_wait(i, rows, sem):
        pltpu.make_async_copy(rows, acc_sh.at[dst_v.at[i]], sem).wait()

    def body(j, carry):
        i0 = 3 * j
        gather_wait(i0, rows0, g0)

        @pl.when(j > 0)
        def _():
            scatter_wait(i0 - 1, rows2, s2)

        gather_start(i0 + 2, rows2, g2)
        scatter_start(i0, rows0, s0)
        gather_wait(i0 + 1, rows1, g1)
        scatter_wait(i0, rows0, s0)
        gather_start(i0 + 3, rows0, g0)
        scatter_start(i0 + 1, rows1, s1)
        gather_wait(i0 + 2, rows2, g2)
        scatter_wait(i0 + 1, rows1, s1)

        @pl.when(j < CPP // 3 - 1)
        def _():
            gather_start(i0 + 4, rows1, g1)

        scatter_start(i0 + 2, rows2, s2)
        return carry

    def one_pass(p, carry):
        pltpu.sync_copy(src_hbm.at[w, p], src_v)
        pltpu.sync_copy(dst_hbm.at[w, p], dst_v)
        gather_start(0, rows0, g0)
        gather_start(1, rows1, g1)
        lax.fori_loop(0, CPP // 3, body, 0)
        last = CPP - 1
        gather_wait(last, rows0, g0)
        scatter_wait(last - 1, rows2, s2)
        scatter_start(last, rows0, s0)
        scatter_wait(last, rows0, s0)
        return carry

    lax.fori_loop(0, NPASS, one_pass, 0)
    plsc.subcore_barrier()

    @pl.when(s < NS - 1)
    def _():
        pltpu.sync_copy(acc_sh.at[pl.ds(s * ROWS_MAIN, ROWS_MAIN)],
                        out_hbm.at[c, pl.ds(s * ROWS_MAIN, ROWS_MAIN)])

    @pl.when(s == NS - 1)
    def _():
        pltpu.sync_copy(acc_sh.at[pl.ds((NS - 1) * ROWS_MAIN, ROWS_LAST)],
                        out_hbm.at[c, pl.ds((NS - 1) * ROWS_MAIN, ROWS_LAST)])



def _finish_body(parts_ref, d0_ref, d1_ref, out_ref):
    g = lax.rsqrt(d0_ref[...] + d1_ref[...])
    out_ref[...] = g * (parts_ref[0] + parts_ref[1])


_finish = pl.pallas_call(
    _finish_body,
    out_shape=jax.ShapeDtypeStruct((N, D), jnp.float32),
)


def kernel(entity_embed, edge_index):
    src = edge_index[0].astype(jnp.int32).reshape(NW, NPASS, CPP, CH)
    dst = edge_index[1].astype(jnp.int32).reshape(NW, NPASS, CPP, CH)

    deg_parts = _degree_kernel(src, jnp.zeros((N,), jnp.float32))
    d0 = deg_parts[0].reshape(N, 1)
    d1 = deg_parts[1].reshape(N, 1)

    z = _prescale(entity_embed, d0, d1)

    parts = _aggregate_kernel(z, src, dst, jnp.zeros((N, D), jnp.float32))
    return _finish(parts, d0, d1)

# --- scband reference (transcript-rebuilt; emitter-appended) ---
"""Pipeline reference for scband-aggregator-34703335752220 (READ-ONLY COPY).

The authoritative reference and input builder live on the scoring server;
editing this copy changes nothing except your own understanding.
"""

import jax, jax.numpy as jnp
import numpy as np

N_NODES = 10000
N_EDGES = 320000
D_FEAT = 128


def setup_inputs(seed: int = 0) -> dict:
    key = jax.random.key(seed)
    k1, k2 = jax.random.split(key)
    entity_embed = jax.random.normal(k1, (N_NODES, D_FEAT), dtype=jnp.float32)
    edge_index = jax.random.randint(k2, (2, N_EDGES), 0, N_NODES, dtype=jnp.int64)
    return {"entity_embed": entity_embed, "edge_index": edge_index}


def reference(entity_embed, edge_index):
    # DGL GCN-style symmetric-normalized aggregation (intended math of the
    # original module, which uses out-degrees for normalization):
    #   sqrt_degree[i] = 1 / sqrt(out_degree(i))
    #   message(e)     = node[src(e)] * sqrt_degree[src(e)]
    #   N_h[v]         = sqrt_degree[v] * sum_{e: dst(e)=v} message(e)
    src = edge_index[0]
    dst = edge_index[1]
    n = entity_embed.shape[0]
    ones = jnp.ones(src.shape[0], dtype=jnp.float32)
    out_degree = jax.ops.segment_sum(ones, src, num_segments=n)
    sqrt_degree = (1.0 / jnp.sqrt(out_degree))[:, None]  # [N, 1]
    side = entity_embed[src] * sqrt_degree[src]          # [E, d] gather + scale
    summed = jax.ops.segment_sum(side, dst, num_segments=n)  # [N, d] scatter-add
    n_h = sqrt_degree * summed
    return n_h

if __name__ == "__main__":
    import jax
    _d = setup_inputs()
    print(jax.jit(kernel)(*tuple(_d.values())))

</pallas_src>

<mosaic_0001>
#map = affine_map<(d0, d1) -> (0, 0, 0, 0)>
#map1 = affine_map<(d0, d1) -> (0)>
#map2 = affine_map<(d0, d1) -> (0, 0)>
module attributes {stable_mosaic.version = 14 : i64} {
  func.func @_degree_kernel(%arg0: i32, %arg1: i32, %arg2: memref<32x4x25x100xi32, #tpu.memory_space<hbm>>, %arg3: memref<10000xf32, #tpu.memory_space<hbm>>, %arg4: memref<2x10000xf32, #tpu.memory_space<hbm>>, %arg5: memref<25x100xi32, #tpu.memory_space<vmem>>, %arg6: memref<100xf32, #tpu.memory_space<vmem>>, %arg7: memref<10000xf32, #tpu.memory_space<vmem_shared>>, %arg8: memref<!tpu.dma_semaphore, #tpu.memory_space<semaphore_mem>>) attributes {dimension_semantics = [#tpu.dimension_semantics<core_parallel>, #tpu.dimension_semantics<subcore_parallel>], iteration_bounds = array<i64: 2, 16>, scalar_prefetch = 0 : i64, scratch_operands = 4 : i64, tpu.core_type = #tpu.core_type<sc_vector_subcore>, window_params = [{transform_indices = #map}, {transform_indices = #map1}, {transform_indices = #map2}]} {
    %mul3A = arith.constant 2 : i32
    %mul3A_0 = arith.muli %arg1, %mul3A : i32
    %add3A = arith.addi %mul3A_0, %arg0 : i32
    %broadcast_in_dim3A = arith.constant 1.000000e+00 : f32
    %broadcast_in_dim3A_1 = vector.broadcast %broadcast_in_dim3A : f32 to vector<16xf32>
    %swap3A = arith.constant 0 : index
    %swap3A_2 = tpu.vector_load %arg6[%swap3A] {strides = array<i32>} : memref<100xf32, #tpu.memory_space<vmem>>, vector<16xf32>,
    %swap3A_3 = vector.shape_cast %swap3A_2 : vector<16xf32> to vector<16xf32>
    %swap3A_4 = vector.shape_cast %broadcast_in_dim3A_1 : vector<16xf32> to vector<16xf32>
    tpu.vector_store %arg6[%swap3A], %swap3A_4 {strides = array<i32>} : memref<100xf32, #tpu.memory_space<vmem>>, vector<16xf32>,
    %broadcast_in_dim3A_5 = arith.constant 1.000000e+00 : f32
    %broadcast_in_dim3A_6 = vector.broadcast %broadcast_in_dim3A_5 : f32 to vector<16xf32>
    %swap3A_7 = arith.constant 16 : index
    %swap3A_8 = tpu.vector_load %arg6[%swap3A_7] {strides = array<i32>} : memref<100xf32, #tpu.memory_space<vmem>>, vector<16xf32>,
    %swap3A_9 = vector.shape_cast %swap3A_8 : vector<16xf32> to vector<16xf32>
    %swap3A_10 = vector.shape_cast %broadcast_in_dim3A_6 : vector<16xf32> to vector<16xf32>
    tpu.vector_store %arg6[%swap3A_7], %swap3A_10 {strides = array<i32>} : memref<100xf32, #tpu.memory_space<vmem>>, vector<16xf32>,
    %broadcast_in_dim3A_11 = arith.constant 1.000000e+00 : f32
    %broadcast_in_dim3A_12 = vector.broadcast %broadcast_in_dim3A_11 : f32 to vector<16xf32>
    %swap3A_13 = arith.constant 32 : index
    %swap3A_14 = tpu.vector_load %arg6[%swap3A_13] {strides = array<i32>} : memref<100xf32, #tpu.memory_space<vmem>>, vector<16xf32>,
    %swap3A_15 = vector.shape_cast %swap3A_14 : vector<16xf32> to vector<16xf32>
    %swap3A_16 = vector.shape_cast %broadcast_in_dim3A_12 : vector<16xf32> to vector<16xf32>
    tpu.vector_store %arg6[%swap3A_13], %swap3A_16 {strides = array<i32>} : memref<100xf32, #tpu.memory_space<vmem>>, vector<16xf32>,
    %broadcast_in_dim3A_17 = arith.constant 1.000000e+00 : f32
    %broadcast_in_dim3A_18 = vector.broadcast %broadcast_in_dim3A_17 : f32 to vector<16xf32>
    %swap3A_19 = arith.constant 48 : index
    %swap3A_20 = tpu.vector_load %arg6[%swap3A_19] {strides = array<i32>} : memref<100xf32, #tpu.memory_space<vmem>>, vector<16xf32>,
    %swap3A_21 = vector.shape_cast %swap3A_20 : vector<16xf32> to vector<16xf32>
    %swap3A_22 = vector.shape_cast %broadcast_in_dim3A_18 : vector<16xf32> to vector<16xf32>
    tpu.vector_store %arg6[%swap3A_19], %swap3A_22 {strides = array<i32>} : memref<100xf32, #tpu.memory_space<vmem>>, vector<16xf32>,
    %broadcast_in_dim3A_23 = arith.constant 1.000000e+00 : f32
    %broadcast_in_dim3A_24 = vector.broadcast %broadcast_in_dim3A_23 : f32 to vector<16xf32>
    %swap3A_25 = arith.constant 64 : index
    %swap3A_26 = tpu.vector_load %arg6[%swap3A_25] {strides = array<i32>} : memref<100xf32, #tpu.memory_space<vmem>>, vector<16xf32>,
    %swap3A_27 = vector.shape_cast %swap3A_26 : vector<16xf32> to vector<16xf32>
    %swap3A_28 = vector.shape_cast %broadcast_in_dim3A_24 : vector<16xf32> to vector<16xf32>
    tpu.vector_store %arg6[%swap3A_25], %swap3A_28 {strides = array<i32>} : memref<100xf32, #tpu.memory_space<vmem>>, vector<16xf32>,
    %broadcast_in_dim3A_29 = arith.constant 1.000000e+00 : f32
    %broadcast_in_dim3A_30 = vector.broadcast %broadcast_in_dim3A_29 : f32 to vector<16xf32>
    %swap3A_31 = arith.constant 80 : index
    %swap3A_32 = tpu.vector_load %arg6[%swap3A_31] {strides = array<i32>} : memref<100xf32, #tpu.memory_space<vmem>>, vector<16xf32>,
    %swap3A_33 = vector.shape_cast %swap3A_32 : vector<16xf32> to vector<16xf32>
    %swap3A_34 = vector.shape_cast %broadcast_in_dim3A_30 : vector<16xf32> to vector<16xf32>
    tpu.vector_store %arg6[%swap3A_31], %swap3A_34 {strides = array<i32>} : memref<100xf32, #tpu.memory_space<vmem>>, vector<16xf32>,
    %broadcast_in_dim3A_35 = arith.constant 1.000000e+00 : f32
    %broadcast_in_dim3A_36 = vector.broadcast %broadcast_in_dim3A_35 : f32 to vector<16xf32>
    %swap3A_37 = arith.constant 84 : index
    %swap3A_38 = tpu.vector_load %arg6[%swap3A_37] {strides = array<i32>} : memref<100xf32, #tpu.memory_space<vmem>>, vector<16xf32>,
    %swap3A_39 = vector.shape_cast %swap3A_38 : vector<16xf32> to vector<16xf32>
    %swap3A_40 = vector.shape_cast %broadcast_in_dim3A_36 : vector<16xf32> to vector<16xf32>
    tpu.vector_store %arg6[%swap3A_37], %swap3A_40 {strides = array<i32>} : memref<100xf32, #tpu.memory_space<vmem>>, vector<16xf32>,
    %eq3A = arith.constant 0 : i32
    %eq3A_41 = arith.cmpi eq, %arg1, %eq3A : i32
    %convert_element_type3A = arith.extui %eq3A_41 : i1 to i32
    %cond3A = arith.constant 0 : i32
    %cond3A_42 = arith.cmpi ne, %convert_element_type3A, %cond3A : i32
    scf.if %cond3A_42 {
      "tpu.region"() ({
        %run_scoped3A = tpu.sem_alloc : memref<!tpu.dma_semaphore, #tpu.memory_space<semaphore_mem>>
        tpu.enqueue_dma source(%arg3 : memref<10000xf32, #tpu.memory_space<hbm>>) target(%arg7 : memref<10000xf32, #tpu.memory_space<vmem_shared>>) target_semaphore(%run_scoped3A : memref<!tpu.dma_semaphore, #tpu.memory_space<semaphore_mem>>)
        tpu.wait_dma2 semaphore(%run_scoped3A : memref<!tpu.dma_semaphore, #tpu.memory_space<semaphore_mem>>) src(%arg3 : memref<10000xf32, #tpu.memory_space<hbm>>) dst(%arg7 : memref<10000xf32, #tpu.memory_space<vmem_shared>>)
        tpu.yield
      }) : () -> ()
    } else {
    }
    %barrier3A = arith.constant 0 : index
    tpu.barrier barrier_id(%barrier3A)
    %scan3A = arith.constant 0 : i32
    %scan3A_43 = arith.constant 0 : i32
    %scan3A_44 = arith.constant 4 : i32
    %scan3A_45 = arith.addi %scan3A_43, %scan3A_44 : i32
    %scan3A_46 = arith.constant 1 : i32
    scf.for %scan3A_54 = %scan3A_43 to %scan3A_45 step %scan3A_46  : i32 {
      "tpu.region"() ({
        %run_scoped3A = tpu.sem_alloc : memref<!tpu.dma_semaphore, #tpu.memory_space<semaphore_mem>>
        %dma_start3A = arith.constant 0 : i32
        %dma_start3A_67 = arith.constant 0 : i32
        %dma_start3A_68 = tpu.memref_slice %arg2[%add3A, %scan3A_54, %dma_start3A, %dma_start3A_67] : memref<32x4x25x100xi32, #tpu.memory_space<hbm>> -> memref<1x1x25x100xi32, #tpu.memory_space<hbm>>
        %dma_start3A_69 = tpu.memref_squeeze %dma_start3A_68 : memref<1x1x25x100xi32, #tpu.memory_space<hbm>> -> memref<25x100xi32, #tpu.memory_space<hbm>>
        %dma_start3A_70 = arith.constant 0 : i32
        %dma_start3A_71 = arith.constant 0 : i32
        %dma_start3A_72 = tpu.memref_slice %arg2[%add3A, %scan3A_54, %dma_start3A_70, %dma_start3A_71] : memref<32x4x25x100xi32, #tpu.memory_space<hbm>> -> memref<1x1x25x100xi32, #tpu.memory_space<hbm>>
        %dma_start3A_73 = tpu.memref_squeeze %dma_start3A_72 : memref<1x1x25x100xi32, #tpu.memory_space<hbm>> -> memref<25x100xi32, #tpu.memory_space<hbm>>
        tpu.enqueue_dma source(%dma_start3A_73 : memref<25x100xi32, #tpu.memory_space<hbm>>) target(%arg5 : memref<25x100xi32, #tpu.memory_space<vmem>>) target_semaphore(%run_scoped3A : memref<!tpu.dma_semaphore, #tpu.memory_space<semaphore_mem>>)
        %dma_wait3A = arith.constant 0 : i32
        %dma_wait3A_74 = arith.constant 0 : i32
        %dma_wait3A_75 = tpu.memref_slice %arg2[%add3A, %scan3A_54, %dma_wait3A, %dma_wait3A_74] : memref<32x4x25x100xi32, #tpu.memory_space<hbm>> -> memref<1x1x25x100xi32, #tpu.memory_space<hbm>>
        %dma_wait3A_76 = tpu.memref_squeeze %dma_wait3A_75 : memref<1x1x25x100xi32, #tpu.memory_space<hbm>> -> memref<25x100xi32, #tpu.memory_space<hbm>>
        %dma_wait3A_77 = arith.constant 0 : i32
        %dma_wait3A_78 = arith.constant 0 : i32
        %dma_wait3A_79 = tpu.memref_slice %arg2[%add3A, %scan3A_54, %dma_wait3A_77, %dma_wait3A_78] : memref<32x4x25x100xi32, #tpu.memory_space<hbm>> -> memref<1x1x25x100xi32, #tpu.memory_space<hbm>>
        %dma_wait3A_80 = tpu.memref_squeeze %dma_wait3A_79 : memref<1x1x25x100xi32, #tpu.memory_space<hbm>> -> memref<25x100xi32, #tpu.memory_space<hbm>>
        tpu.wait_dma2 semaphore(%run_scoped3A : memref<!tpu.dma_semaphore, #tpu.memory_space<semaphore_mem>>) src(%dma_wait3A_80 : memref<25x100xi32, #tpu.memory_space<hbm>>) dst(%arg5 : memref<25x100xi32, #tpu.memory_space<vmem>>)
        tpu.yield
      }) : () -> ()
      %scan3A_55 = arith.constant 0 : i32
      %scan3A_56 = arith.constant 0 : i32
      %scan3A_57 = arith.constant 25 : i32
      %scan3A_58 = arith.addi %scan3A_56, %scan3A_57 : i32
      %scan3A_59 = arith.constant 1 : i32
      scf.for %scan3A_67 = %scan3A_56 to %scan3A_58 step %scan3A_59  : i32 {
        %dma_start3A = arith.constant 0 : i32
        %dma_start3A_68 = tpu.memref_slice %arg5[%scan3A_67, %dma_start3A] : memref<25x100xi32, #tpu.memory_space<vmem>> -> memref<1x100xi32, #tpu.memory_space<vmem>>
        %dma_start3A_69 = tpu.memref_squeeze %dma_start3A_68 : memref<1x100xi32, #tpu.memory_space<vmem>> -> memref<100xi32, #tpu.memory_space<vmem>>
        %dma_start3A_70 = arith.constant 0 : i32
        %dma_start3A_71 = tpu.memref_slice %arg7[%dma_start3A_70] : memref<10000xf32, #tpu.memory_space<vmem_shared>> -> memref<10000xf32, #tpu.memory_space<vmem_shared>>
        tpu.enqueue_indirect_dma source(%arg6 : memref<100xf32, #tpu.memory_space<vmem>>) target(%dma_start3A_71 : memref<10000xf32, #tpu.memory_space<vmem_shared>>) offsets(%dma_start3A_69 : memref<100xi32, #tpu.memory_space<vmem>>) semaphore(%arg8 : memref<!tpu.dma_semaphore, #tpu.memory_space<semaphore_mem>>) {add = true}
      }
      %scan3A_60 = arith.constant 25 : i32
      %scan3A_61 = arith.constant 0 : i32
      %scan3A_62 = arith.constant 0 : i32
      %scan3A_63 = arith.constant 25 : i32
      %scan3A_64 = arith.addi %scan3A_62, %scan3A_63 : i32
      %scan3A_65 = arith.constant 1 : i32
      scf.for %scan3A_67 = %scan3A_62 to %scan3A_64 step %scan3A_65  : i32 {
        %dma_wait3A = arith.constant 0 : i32
        %dma_wait3A_68 = tpu.memref_slice %arg5[%scan3A_67, %dma_wait3A] : memref<25x100xi32, #tpu.memory_space<vmem>> -> memref<1x100xi32, #tpu.memory_space<vmem>>
        %dma_wait3A_69 = tpu.memref_squeeze %dma_wait3A_68 : memref<1x100xi32, #tpu.memory_space<vmem>> -> memref<100xi32, #tpu.memory_space<vmem>>
        %dma_wait3A_70 = arith.constant 0 : i32
        %dma_wait3A_71 = tpu.memref_slice %arg7[%dma_wait3A_70] : memref<10000xf32, #tpu.memory_space<vmem_shared>> -> memref<10000xf32, #tpu.memory_space<vmem_shared>>
        tpu.wait_indirect_dma semaphore(%arg8 : memref<!tpu.dma_semaphore, #tpu.memory_space<semaphore_mem>>) src(%arg6 : memref<100xf32, #tpu.memory_space<vmem>>) dst(%dma_wait3A_71 : memref<10000xf32, #tpu.memory_space<vmem_shared>>)
      }
      %scan3A_66 = arith.constant 25 : i32
    }
    %scan3A_47 = arith.constant 4 : i32
    %barrier3A_48 = arith.constant 0 : index
    tpu.barrier barrier_id(%barrier3A_48)
    %eq3A_49 = arith.constant 0 : i32
    %eq3A_50 = arith.cmpi eq, %arg1, %eq3A_49 : i32
    %convert_element_type3A_51 = arith.extui %eq3A_50 : i1 to i32
    %cond3A_52 = arith.constant 0 : i32
    %cond3A_53 = arith.cmpi ne, %convert_element_type3A_51, %cond3A_52 : i32
    scf.if %cond3A_53 {
      "tpu.region"() ({
        %run_scoped3A = tpu.sem_alloc : memref<!tpu.dma_semaphore, #tpu.memory_space<semaphore_mem>>
        %dma_start3A = arith.constant 0 : i32
        %dma_start3A_54 = tpu.memref_slice %arg4[%arg0, %dma_start3A] : memref<2x10000xf32, #tpu.memory_space<hbm>> -> memref<1x10000xf32, #tpu.memory_space<hbm>>
        %dma_start3A_55 = tpu.memref_squeeze %dma_start3A_54 : memref<1x10000xf32, #tpu.memory_space<hbm>> -> memref<10000xf32, #tpu.memory_space<hbm>>
        tpu.enqueue_dma source(%arg7 : memref<10000xf32, #tpu.memory_space<vmem_shared>>) target(%dma_start3A_55 : memref<10000xf32, #tpu.memory_space<hbm>>) target_semaphore(%run_scoped3A : memref<!tpu.dma_semaphore, #tpu.memory_space<semaphore_mem>>)
        %dma_wait3A = arith.constant 0 : i32
        %dma_wait3A_56 = tpu.memref_slice %arg4[%arg0, %dma_wait3A] : memref<2x10000xf32, #tpu.memory_space<hbm>> -> memref<1x10000xf32, #tpu.memory_space<hbm>>
        %dma_wait3A_57 = tpu.memref_squeeze %dma_wait3A_56 : memref<1x10000xf32, #tpu.memory_space<hbm>> -> memref<10000xf32, #tpu.memory_space<hbm>>
        tpu.wait_dma2 semaphore(%run_scoped3A : memref<!tpu.dma_semaphore, #tpu.memory_space<semaphore_mem>>) src(%arg7 : memref<10000xf32, #tpu.memory_space<vmem_shared>>) dst(%dma_wait3A_57 : memref<10000xf32, #tpu.memory_space<hbm>>)
        tpu.yield
      }) : () -> ()
    } else {
    }
    return
  }
}

#map = affine_map<(d0, d1) -> (0, 0)>
#map1 = affine_map<(d0, d1) -> (0, 0, 0, 0)>
#map2 = affine_map<(d0, d1) -> (0, 0, 0)>
module attributes {stable_mosaic.version = 14 : i64} {
  func.func @_aggregate_kernel(%arg0: i32, %arg1: i32, %arg2: memref<10000x128xf32, #tpu.memory_space<hbm>>, %arg3: memref<32x4x25x100xi32, #tpu.memory_space<hbm>>, %arg4: memref<32x4x25x100xi32, #tpu.memory_space<hbm>>, %arg5: memref<10000x128xf32, #tpu.memory_space<hbm>>, %arg6: memref<2x10000x128xf32, #tpu.memory_space<hbm>>, %arg7: memref<25x100xi32, #tpu.memory_space<vmem>>, %arg8: memref<25x100xi32, #tpu.memory_space<vmem>>, %arg9: memref<100x128xf32, #tpu.memory_space<vmem>>, %arg10: memref<100x128xf32, #tpu.memory_space<vmem>>, %arg11: memref<100x128xf32, #tpu.memory_space<vmem>>, %arg12: memref<10000x128xf32, #tpu.memory_space<vmem_shared>>, %arg13: memref<!tpu.dma_semaphore, #tpu.memory_space<semaphore_mem>>, %arg14: memref<!tpu.dma_semaphore, #tpu.memory_space<semaphore_mem>>, %arg15: memref<!tpu.dma_semaphore, #tpu.memory_space<semaphore_mem>>, %arg16: memref<!tpu.dma_semaphore, #tpu.memory_space<semaphore_mem>>, %arg17: memref<!tpu.dma_semaphore, #tpu.memory_space<semaphore_mem>>, %arg18: memref<!tpu.dma_semaphore, #tpu.memory_space<semaphore_mem>>) attributes {dimension_semantics = [#tpu.dimension_semantics<core_parallel>, #tpu.dimension_semantics<subcore_parallel>], iteration_bounds = array<i64: 2, 16>, scalar_prefetch = 0 : i64, scratch_operands = 12 : i64, tpu.core_type = #tpu.core_type<sc_vector_subcore>, window_params = [{transform_indices = #map}, {transform_indices = #map1}, {transform_indices = #map1}, {transform_indices = #map}, {transform_indices = #map2}]} {
    %mul3A = arith.constant 2 : i32
    %mul3A_0 = arith.muli %arg1, %mul3A : i32
    %add3A = arith.addi %mul3A_0, %arg0 : i32
    %lt3A = arith.constant 15 : i32
    %lt3A_1 = arith.cmpi slt, %arg1, %lt3A : i32
    %convert_element_type3A = arith.extui %lt3A_1 : i1 to i32
    %cond3A = arith.constant 0 : i32
    %cond3A_2 = arith.cmpi ne, %convert_element_type3A, %cond3A : i32
    scf.if %cond3A_2 {
      %mul3A_23 = arith.constant 632 : i32
      %mul3A_24 = arith.muli %arg1, %mul3A_23 : i32
      %mul3A_25 = arith.constant 632 : i32
      %mul3A_26 = arith.muli %arg1, %mul3A_25 : i32
      "tpu.region"() ({
        %run_scoped3A = tpu.sem_alloc : memref<!tpu.dma_semaphore, #tpu.memory_space<semaphore_mem>>
        %dma_start3A = arith.constant 0 : i32
        %dma_start3A_27 = tpu.memref_slice %arg12[%mul3A_26, %dma_start3A] : memref<10000x128xf32, #tpu.memory_space<vmem_shared>> -> memref<632x128xf32, #tpu.memory_space<vmem_shared>>
        %dma_start3A_28 = arith.constant 0 : i32
        %dma_start3A_29 = tpu.memref_slice %arg5[%mul3A_24, %dma_start3A_28] : memref<10000x128xf32, #tpu.memory_space<hbm>> -> memref<632x128xf32, #tpu.memory_space<hbm>>
        tpu.enqueue_dma source(%dma_start3A_29 : memref<632x128xf32, #tpu.memory_space<hbm>>) target(%dma_start3A_27 : memref<632x128xf32, #tpu.memory_space<vmem_shared>>) target_semaphore(%run_scoped3A : memref<!tpu.dma_semaphore, #tpu.memory_space<semaphore_mem>>)
        %dma_wait3A = arith.constant 0 : i32
        %dma_wait3A_30 = tpu.memref_slice %arg12[%mul3A_26, %dma_wait3A] : memref<10000x128xf32, #tpu.memory_space<vmem_shared>> -> memref<632x128xf32, #tpu.memory_space<vmem_shared>>
        %dma_wait3A_31 = arith.constant 0 : i32
        %dma_wait3A_32 = tpu.memref_slice %arg5[%mul3A_24, %dma_wait3A_31] : memref<10000x128xf32, #tpu.memory_space<hbm>> -> memref<632x128xf32, #tpu.memory_space<hbm>>
        tpu.wait_dma2 semaphore(%run_scoped3A : memref<!tpu.dma_semaphore, #tpu.memory_space<semaphore_mem>>) src(%dma_wait3A_32 : memref<632x128xf32, #tpu.memory_space<hbm>>) dst(%dma_wait3A_30 : memref<632x128xf32, #tpu.memory_space<vmem_shared>>)
        tpu.yield
      }) : () -> ()
    } else {
    }
    %eq3A = arith.constant 15 : i32
    %eq3A_3 = arith.cmpi eq, %arg1, %eq3A : i32
    %convert_element_type3A_4 = arith.extui %eq3A_3 : i1 to i32
    %cond3A_5 = arith.constant 0 : i32
    %cond3A_6 = arith.cmpi ne, %convert_element_type3A_4, %cond3A_5 : i32
    scf.if %cond3A_6 {
      "tpu.region"() ({
        %run_scoped3A = tpu.sem_alloc : memref<!tpu.dma_semaphore, #tpu.memory_space<semaphore_mem>>
        %dma_start3A = arith.constant 9480 : i32
        %dma_start3A_23 = arith.constant 0 : i32
        %dma_start3A_24 = tpu.memref_slice %arg12[%dma_start3A, %dma_start3A_23] : memref<10000x128xf32, #tpu.memory_space<vmem_shared>> -> memref<520x128xf32, #tpu.memory_space<vmem_shared>>
        %dma_start3A_25 = arith.constant 9480 : i32
        %dma_start3A_26 = arith.constant 0 : i32
        %dma_start3A_27 = tpu.memref_slice %arg5[%dma_start3A_25, %dma_start3A_26] : memref<10000x128xf32, #tpu.memory_space<hbm>> -> memref<520x128xf32, #tpu.memory_space<hbm>>
        tpu.enqueue_dma source(%dma_start3A_27 : memref<520x128xf32, #tpu.memory_space<hbm>>) target(%dma_start3A_24 : memref<520x128xf32, #tpu.memory_space<vmem_shared>>) target_semaphore(%run_scoped3A : memref<!tpu.dma_semaphore, #tpu.memory_space<semaphore_mem>>)
        %dma_wait3A = arith.constant 9480 : i32
        %dma_wait3A_28 = arith.constant 0 : i32
        %dma_wait3A_29 = tpu.memref_slice %arg12[%dma_wait3A, %dma_wait3A_28] : memref<10000x128xf32, #tpu.memory_space<vmem_shared>> -> memref<520x128xf32, #tpu.memory_space<vmem_shared>>
        %dma_wait3A_30 = arith.constant 9480 : i32
        %dma_wait3A_31 = arith.constant 0 : i32
        %dma_wait3A_32 = tpu.memref_slice %arg5[%dma_wait3A_30, %dma_wait3A_31] : memref<10000x128xf32, #tpu.memory_space<hbm>> -> memref<520x128xf32, #tpu.memory_space<hbm>>
        tpu.wait_dma2 semaphore(%run_scoped3A : memref<!tpu.dma_semaphore, #tpu.memory_space<semaphore_mem>>) src(%dma_wait3A_32 : memref<520x128xf32, #tpu.memory_space<hbm>>) dst(%dma_wait3A_29 : memref<520x128xf32, #tpu.memory_space<vmem_shared>>)
        tpu.yield
      }) : () -> ()
    } else {
    }
    %barrier3A = arith.constant 0 : index
    tpu.barrier barrier_id(%barrier3A)
    %scan3A = arith.constant 0 : i32
    %scan3A_7 = arith.constant 0 : i32
    %scan3A_8 = arith.constant 4 : i32
    %scan3A_9 = arith.addi %scan3A_7, %scan3A_8 : i32
    %scan3A_10 = arith.constant 1 : i32
    scf.for %scan3A_23 = %scan3A_7 to %scan3A_9 step %scan3A_10  : i32 {
      "tpu.region"() ({
        %run_scoped3A = tpu.sem_alloc : memref<!tpu.dma_semaphore, #tpu.memory_space<semaphore_mem>>
        %dma_start3A_70 = arith.constant 0 : i32
        %dma_start3A_71 = arith.constant 0 : i32
        %dma_start3A_72 = tpu.memref_slice %arg3[%add3A, %scan3A_23, %dma_start3A_70, %dma_start3A_71] : memref<32x4x25x100xi32, #tpu.memory_space<hbm>> -> memref<1x1x25x100xi32, #tpu.memory_space<hbm>>
        %dma_start3A_73 = tpu.memref_squeeze %dma_start3A_72 : memref<1x1x25x100xi32, #tpu.memory_space<hbm>> -> memref<25x100xi32, #tpu.memory_space<hbm>>
        %dma_start3A_74 = arith.constant 0 : i32
        %dma_start3A_75 = arith.constant 0 : i32
        %dma_start3A_76 = tpu.memref_slice %arg3[%add3A, %scan3A_23, %dma_start3A_74, %dma_start3A_75] : memref<32x4x25x100xi32, #tpu.memory_space<hbm>> -> memref<1x1x25x100xi32, #tpu.memory_space<hbm>>
        %dma_start3A_77 = tpu.memref_squeeze %dma_start3A_76 : memref<1x1x25x100xi32, #tpu.memory_space<hbm>> -> memref<25x100xi32, #tpu.memory_space<hbm>>
        tpu.enqueue_dma source(%dma_start3A_77 : memref<25x100xi32, #tpu.memory_space<hbm>>) target(%arg7 : memref<25x100xi32, #tpu.memory_space<vmem>>) target_semaphore(%run_scoped3A : memref<!tpu.dma_semaphore, #tpu.memory_space<semaphore_mem>>)
        %dma_wait3A_78 = arith.constant 0 : i32
        %dma_wait3A_79 = arith.constant 0 : i32
        %dma_wait3A_80 = tpu.memref_slice %arg3[%add3A, %scan3A_23, %dma_wait3A_78, %dma_wait3A_79] : memref<32x4x25x100xi32, #tpu.memory_space<hbm>> -> memref<1x1x25x100xi32, #tpu.memory_space<hbm>>
        %dma_wait3A_81 = tpu.memref_squeeze %dma_wait3A_80 : memref<1x1x25x100xi32, #tpu.memory_space<hbm>> -> memref<25x100xi32, #tpu.memory_space<hbm>>
        %dma_wait3A_82 = arith.constant 0 : i32
        %dma_wait3A_83 = arith.constant 0 : i32
        %dma_wait3A_84 = tpu.memref_slice %arg3[%add3A, %scan3A_23, %dma_wait3A_82, %dma_wait3A_83] : memref<32x4x25x100xi32, #tpu.memory_space<hbm>> -> memref<1x1x25x100xi32, #tpu.memory_space<hbm>>
        %dma_wait3A_85 = tpu.memref_squeeze %dma_wait3A_84 : memref<1x1x25x100xi32, #tpu.memory_space<hbm>> -> memref<25x100xi32, #tpu.memory_space<hbm>>
        tpu.wait_dma2 semaphore(%run_scoped3A : memref<!tpu.dma_semaphore, #tpu.memory_space<semaphore_mem>>) src(%dma_wait3A_85 : memref<25x100xi32, #tpu.memory_space<hbm>>) dst(%arg7 : memref<25x100xi32, #tpu.memory_space<vmem>>)
        tpu.yield
      }) : () -> ()
      "tpu.region"() ({
        %run_scoped3A = tpu.sem_alloc : memref<!tpu.dma_semaphore, #tpu.memory_space<semaphore_mem>>
        %dma_start3A_70 = arith.constant 0 : i32
        %dma_start3A_71 = arith.constant 0 : i32
        %dma_start3A_72 = tpu.memref_slice %arg4[%add3A, %scan3A_23, %dma_start3A_70, %dma_start3A_71] : memref<32x4x25x100xi32, #tpu.memory_space<hbm>> -> memref<1x1x25x100xi32, #tpu.memory_space<hbm>>
        %dma_start3A_73 = tpu.memref_squeeze %dma_start3A_72 : memref<1x1x25x100xi32, #tpu.memory_space<hbm>> -> memref<25x100xi32, #tpu.memory_space<hbm>>
        %dma_start3A_74 = arith.constant 0 : i32
        %dma_start3A_75 = arith.constant 0 : i32
        %dma_start3A_76 = tpu.memref_slice %arg4[%add3A, %scan3A_23, %dma_start3A_74, %dma_start3A_75] : memref<32x4x25x100xi32, #tpu.memory_space<hbm>> -> memref<1x1x25x100xi32, #tpu.memory_space<hbm>>
        %dma_start3A_77 = tpu.memref_squeeze %dma_start3A_76 : memref<1x1x25x100xi32, #tpu.memory_space<hbm>> -> memref<25x100xi32, #tpu.memory_space<hbm>>
        tpu.enqueue_dma source(%dma_start3A_77 : memref<25x100xi32, #tpu.memory_space<hbm>>) target(%arg8 : memref<25x100xi32, #tpu.memory_space<vmem>>) target_semaphore(%run_scoped3A : memref<!tpu.dma_semaphore, #tpu.memory_space<semaphore_mem>>)
        %dma_wait3A_78 = arith.constant 0 : i32
        %dma_wait3A_79 = arith.constant 0 : i32
        %dma_wait3A_80 = tpu.memref_slice %arg4[%add3A, %scan3A_23, %dma_wait3A_78, %dma_wait3A_79] : memref<32x4x25x100xi32, #tpu.memory_space<hbm>> -> memref<1x1x25x100xi32, #tpu.memory_space<hbm>>
        %dma_wait3A_81 = tpu.memref_squeeze %dma_wait3A_80 : memref<1x1x25x100xi32, #tpu.memory_space<hbm>> -> memref<25x100xi32, #tpu.memory_space<hbm>>
        %dma_wait3A_82 = arith.constant 0 : i32
        %dma_wait3A_83 = arith.constant 0 : i32
        %dma_wait3A_84 = tpu.memref_slice %arg4[%add3A, %scan3A_23, %dma_wait3A_82, %dma_wait3A_83] : memref<32x4x25x100xi32, #tpu.memory_space<hbm>> -> memref<1x1x25x100xi32, #tpu.memory_space<hbm>>
        %dma_wait3A_85 = tpu.memref_squeeze %dma_wait3A_84 : memref<1x1x25x100xi32, #tpu.memory_space<hbm>> -> memref<25x100xi32, #tpu.memory_space<hbm>>
        tpu.wait_dma2 semaphore(%run_scoped3A : memref<!tpu.dma_semaphore, #tpu.memory_space<semaphore_mem>>) src(%dma_wait3A_85 : memref<25x100xi32, #tpu.memory_space<hbm>>) dst(%arg8 : memref<25x100xi32, #tpu.memory_space<vmem>>)
        tpu.yield
      }) : () -> ()
      %dma_start3A = arith.constant 0 : i32
      %dma_start3A_24 = arith.constant 0 : i32
      %dma_start3A_25 = tpu.memref_slice %arg7[%dma_start3A, %dma_start3A_24] : memref<25x100xi32, #tpu.memory_space<vmem>> -> memref<1x100xi32, #tpu.memory_space<vmem>>
      %dma_start3A_26 = tpu.memref_squeeze %dma_start3A_25 : memref<1x100xi32, #tpu.memory_space<vmem>> -> memref<100xi32, #tpu.memory_space<vmem>>
      %dma_start3A_27 = arith.constant 0 : i32
      %dma_start3A_28 = arith.constant 0 : i32
      %dma_start3A_29 = tpu.memref_slice %arg2[%dma_start3A_27, %dma_start3A_28] : memref<10000x128xf32, #tpu.memory_space<hbm>> -> memref<10000x128xf32, #tpu.memory_space<hbm>>
      tpu.enqueue_indirect_dma source(%dma_start3A_29 : memref<10000x128xf32, #tpu.memory_space<hbm>>) target(%arg9 : memref<100x128xf32, #tpu.memory_space<vmem>>) offsets(%dma_start3A_26 : memref<100xi32, #tpu.memory_space<vmem>>) semaphore(%arg13 : memref<!tpu.dma_semaphore, #tpu.memory_space<semaphore_mem>>)
      %dma_start3A_30 = arith.constant 1 : i32
      %dma_start3A_31 = arith.constant 0 : i32
      %dma_start3A_32 = tpu.memref_slice %arg7[%dma_start3A_30, %dma_start3A_31] : memref<25x100xi32, #tpu.memory_space<vmem>> -> memref<1x100xi32, #tpu.memory_space<vmem>>
      %dma_start3A_33 = tpu.memref_squeeze %dma_start3A_32 : memref<1x100xi32, #tpu.memory_space<vmem>> -> memref<100xi32, #tpu.memory_space<vmem>>
      %dma_start3A_34 = arith.constant 0 : i32
      %dma_start3A_35 = arith.constant 0 : i32
      %dma_start3A_36 = tpu.memref_slice %arg2[%dma_start3A_34, %dma_start3A_35] : memref<10000x128xf32, #tpu.memory_space<hbm>> -> memref<10000x128xf32, #tpu.memory_space<hbm>>
      tpu.enqueue_indirect_dma source(%dma_start3A_36 : memref<10000x128xf32, #tpu.memory_space<hbm>>) target(%arg10 : memref<100x128xf32, #tpu.memory_space<vmem>>) offsets(%dma_start3A_33 : memref<100xi32, #tpu.memory_space<vmem>>) semaphore(%arg14 : memref<!tpu.dma_semaphore, #tpu.memory_space<semaphore_mem>>)
      %scan3A_37 = arith.constant 0 : i32
      %scan3A_38 = arith.constant 0 : i32
      %scan3A_39 = arith.constant 8 : i32
      %scan3A_40 = arith.addi %scan3A_38, %scan3A_39 : i32
      %scan3A_41 = arith.constant 1 : i32
      scf.for %scan3A_70 = %scan3A_38 to %scan3A_40 step %scan3A_41  : i32 {
        %mul3A_71 = arith.constant 3 : i32
        %mul3A_72 = arith.muli %mul3A_71, %scan3A_70 : i32
        %dma_wait3A_73 = arith.constant 0 : i32
        %dma_wait3A_74 = tpu.memref_slice %arg7[%mul3A_72, %dma_wait3A_73] : memref<25x100xi32, #tpu.memory_space<vmem>> -> memref<1x100xi32, #tpu.memory_space<vmem>>
        %dma_wait3A_75 = tpu.memref_squeeze %dma_wait3A_74 : memref<1x100xi32, #tpu.memory_space<vmem>> -> memref<100xi32, #tpu.memory_space<vmem>>
        %dma_wait3A_76 = arith.constant 0 : i32
        %dma_wait3A_77 = arith.constant 0 : i32
        %dma_wait3A_78 = tpu.memref_slice %arg2[%dma_wait3A_76, %dma_wait3A_77] : memref<10000x128xf32, #tpu.memory_space<hbm>> -> memref<10000x128xf32, #tpu.memory_space<hbm>>
        tpu.wait_indirect_dma semaphore(%arg13 : memref<!tpu.dma_semaphore, #tpu.memory_space<semaphore_mem>>) src(%dma_wait3A_78 : memref<10000x128xf32, #tpu.memory_space<hbm>>) dst(%arg9 : memref<100x128xf32, #tpu.memory_space<vmem>>)
        %gt3A = arith.constant 0 : i32
        %gt3A_79 = arith.cmpi sgt, %scan3A_70, %gt3A : i32
        %convert_element_type3A_80 = arith.extui %gt3A_79 : i1 to i32
        %cond3A_81 = arith.constant 0 : i32
        %cond3A_82 = arith.cmpi ne, %convert_element_type3A_80, %cond3A_81 : i32
        scf.if %cond3A_82 {
          %sub3A = arith.constant 1 : i32
          %sub3A_156 = arith.subi %mul3A_72, %sub3A : i32
          %dma_wait3A_157 = arith.constant 0 : i32
          %dma_wait3A_158 = tpu.memref_slice %arg8[%sub3A_156, %dma_wait3A_157] : memref<25x100xi32, #tpu.memory_space<vmem>> -> memref<1x100xi32, #tpu.memory_space<vmem>>
          %dma_wait3A_159 = tpu.memref_squeeze %dma_wait3A_158 : memref<1x100xi32, #tpu.memory_space<vmem>> -> memref<100xi32, #tpu.memory_space<vmem>>
          %dma_wait3A_160 = arith.constant 0 : i32
          %dma_wait3A_161 = arith.constant 0 : i32
          %dma_wait3A_162 = tpu.memref_slice %arg12[%dma_wait3A_160, %dma_wait3A_161] : memref<10000x128xf32, #tpu.memory_space<vmem_shared>> -> memref<10000x128xf32, #tpu.memory_space<vmem_shared>>
          tpu.wait_indirect_dma semaphore(%arg18 : memref<!tpu.dma_semaphore, #tpu.memory_space<semaphore_mem>>) src(%arg11 : memref<100x128xf32, #tpu.memory_space<vmem>>) dst(%dma_wait3A_162 : memref<10000x128xf32, #tpu.memory_space<vmem_shared>>)
        } else {
        }
        %add3A_83 = arith.constant 2 : i32
        %add3A_84 = arith.addi %mul3A_72, %add3A_83 : i32
        %dma_start3A_85 = arith.constant 0 : i32
        %dma_start3A_86 = tpu.memref_slice %arg7[%add3A_84, %dma_start3A_85] : memref<25x100xi32, #tpu.memory_space<vmem>> -> memref<1x100xi32, #tpu.memory_space<vmem>>
        %dma_start3A_87 = tpu.memref_squeeze %dma_start3A_86 : memref<1x100xi32, #tpu.memory_space<vmem>> -> memref<100xi32, #tpu.memory_space<vmem>>
        %dma_start3A_88 = arith.constant 0 : i32
        %dma_start3A_89 = arith.constant 0 : i32
        %dma_start3A_90 = tpu.memref_slice %arg2[%dma_start3A_88, %dma_start3A_89] : memref<10000x128xf32, #tpu.memory_space<hbm>> -> memref<10000x128xf32, #tpu.memory_space<hbm>>
        tpu.enqueue_indirect_dma source(%dma_start3A_90 : memref<10000x128xf32, #tpu.memory_space<hbm>>) target(%arg11 : memref<100x128xf32, #tpu.memory_space<vmem>>) offsets(%dma_start3A_87 : memref<100xi32, #tpu.memory_space<vmem>>) semaphore(%arg15 : memref<!tpu.dma_semaphore, #tpu.memory_space<semaphore_mem>>)
        %dma_start3A_91 = arith.constant 0 : i32
        %dma_start3A_92 = tpu.memref_slice %arg8[%mul3A_72, %dma_start3A_91] : memref<25x100xi32, #tpu.memory_space<vmem>> -> memref<1x100xi32, #tpu.memory_space<vmem>>
        %dma_start3A_93 = tpu.memref_squeeze %dma_start3A_92 : memref<1x100xi32, #tpu.memory_space<vmem>> -> memref<100xi32, #tpu.memory_space<vmem>>
        %dma_start3A_94 = arith.constant 0 : i32
        %dma_start3A_95 = arith.constant 0 : i32
        %dma_start3A_96 = tpu.memref_slice %arg12[%dma_start3A_94, %dma_start3A_95] : memref<10000x128xf32, #tpu.memory_space<vmem_shared>> -> memref<10000x128xf32, #tpu.memory_space<vmem_shared>>
        tpu.enqueue_indirect_dma source(%arg9 : memref<100x128xf32, #tpu.memory_space<vmem>>) target(%dma_start3A_96 : memref<10000x128xf32, #tpu.memory_space<vmem_shared>>) offsets(%dma_start3A_93 : memref<100xi32, #tpu.memory_space<vmem>>) semaphore(%arg16 : memref<!tpu.dma_semaphore, #tpu.memory_space<semaphore_mem>>) {add = true}
        %add3A_97 = arith.constant 1 : i32
        %add3A_98 = arith.addi %mul3A_72, %add3A_97 : i32
        %dma_wait3A_99 = arith.constant 0 : i32
        %dma_wait3A_100 = tpu.memref_slice %arg7[%add3A_98, %dma_wait3A_99] : memref<25x100xi32, #tpu.memory_space<vmem>> -> memref<1x100xi32, #tpu.memory_space<vmem>>
        %dma_wait3A_101 = tpu.memref_squeeze %dma_wait3A_100 : memref<1x100xi32, #tpu.memory_space<vmem>> -> memref<100xi32, #tpu.memory_space<vmem>>
        %dma_wait3A_102 = arith.constant 0 : i32
        %dma_wait3A_103 = arith.constant 0 : i32
        %dma_wait3A_104 = tpu.memref_slice %arg2[%dma_wait3A_102, %dma_wait3A_103] : memref<10000x128xf32, #tpu.memory_space<hbm>> -> memref<10000x128xf32, #tpu.memory_space<hbm>>
        tpu.wait_indirect_dma semaphore(%arg14 : memref<!tpu.dma_semaphore, #tpu.memory_space<semaphore_mem>>) src(%dma_wait3A_104 : memref<10000x128xf32, #tpu.memory_space<hbm>>) dst(%arg10 : memref<100x128xf32, #tpu.memory_space<vmem>>)
        %dma_wait3A_105 = arith.constant 0 : i32
        %dma_wait3A_106 = tpu.memref_slice %arg8[%mul3A_72, %dma_wait3A_105] : memref<25x100xi32, #tpu.memory_space<vmem>> -> memref<1x100xi32, #tpu.memory_space<vmem>>
        %dma_wait3A_107 = tpu.memref_squeeze %dma_wait3A_106 : memref<1x100xi32, #tpu.memory_space<vmem>> -> memref<100xi32, #tpu.memory_space<vmem>>
        %dma_wait3A_108 = arith.constant 0 : i32
        %dma_wait3A_109 = arith.constant 0 : i32
        %dma_wait3A_110 = tpu.memref_slice %arg12[%dma_wait3A_108, %dma_wait3A_109] : memref<10000x128xf32, #tpu.memory_space<vmem_shared>> -> memref<10000x128xf32, #tpu.memory_space<vmem_shared>>
        tpu.wait_indirect_dma semaphore(%arg16 : memref<!tpu.dma_semaphore, #tpu.memory_space<semaphore_mem>>) src(%arg9 : memref<100x128xf32, #tpu.memory_space<vmem>>) dst(%dma_wait3A_110 : memref<10000x128xf32, #tpu.memory_space<vmem_shared>>)
        %add3A_111 = arith.constant 3 : i32
        %add3A_112 = arith.addi %mul3A_72, %add3A_111 : i32
        %dma_start3A_113 = arith.constant 0 : i32
        %dma_start3A_114 = tpu.memref_slice %arg7[%add3A_112, %dma_start3A_113] : memref<25x100xi32, #tpu.memory_space<vmem>> -> memref<1x100xi32, #tpu.memory_space<vmem>>
        %dma_start3A_115 = tpu.memref_squeeze %dma_start3A_114 : memref<1x100xi32, #tpu.memory_space<vmem>> -> memref<100xi32, #tpu.memory_space<vmem>>
        %dma_start3A_116 = arith.constant 0 : i32
        %dma_start3A_117 = arith.constant 0 : i32
        %dma_start3A_118 = tpu.memref_slice %arg2[%dma_start3A_116, %dma_start3A_117] : memref<10000x128xf32, #tpu.memory_space<hbm>> -> memref<10000x128xf32, #tpu.memory_space<hbm>>
        tpu.enqueue_indirect_dma source(%dma_start3A_118 : memref<10000x128xf32, #tpu.memory_space<hbm>>) target(%arg9 : memref<100x128xf32, #tpu.memory_space<vmem>>) offsets(%dma_start3A_115 : memref<100xi32, #tpu.memory_space<vmem>>) semaphore(%arg13 : memref<!tpu.dma_semaphore, #tpu.memory_space<semaphore_mem>>)
        %add3A_119 = arith.constant 1 : i32
        %add3A_120 = arith.addi %mul3A_72, %add3A_119 : i32
        %dma_start3A_121 = arith.constant 0 : i32
        %dma_start3A_122 = tpu.memref_slice %arg8[%add3A_120, %dma_start3A_121] : memref<25x100xi32, #tpu.memory_space<vmem>> -> memref<1x100xi32, #tpu.memory_space<vmem>>
        %dma_start3A_123 = tpu.memref_squeeze %dma_start3A_122 : memref<1x100xi32, #tpu.memory_space<vmem>> -> memref<100xi32, #tpu.memory_space<vmem>>
        %dma_start3A_124 = arith.constant 0 : i32
        %dma_start3A_125 = arith.constant 0 : i32
        %dma_start3A_126 = tpu.memref_slice %arg12[%dma_start3A_124, %dma_start3A_125] : memref<10000x128xf32, #tpu.memory_space<vmem_shared>> -> memref<10000x128xf32, #tpu.memory_space<vmem_shared>>
        tpu.enqueue_indirect_dma source(%arg10 : memref<100x128xf32, #tpu.memory_space<vmem>>) target(%dma_start3A_126 : memref<10000x128xf32, #tpu.memory_space<vmem_shared>>) offsets(%dma_start3A_123 : memref<100xi32, #tpu.memory_space<vmem>>) semaphore(%arg17 : memref<!tpu.dma_semaphore, #tpu.memory_space<semaphore_mem>>) {add = true}
        %add3A_127 = arith.constant 2 : i32
        %add3A_128 = arith.addi %mul3A_72, %add3A_127 : i32
        %dma_wait3A_129 = arith.constant 0 : i32
        %dma_wait3A_130 = tpu.memref_slice %arg7[%add3A_128, %dma_wait3A_129] : memref<25x100xi32, #tpu.memory_space<vmem>> -> memref<1x100xi32, #tpu.memory_space<vmem>>
        %dma_wait3A_131 = tpu.memref_squeeze %dma_wait3A_130 : memref<1x100xi32, #tpu.memory_space<vmem>> -> memref<100xi32, #tpu.memory_space<vmem>>
        %dma_wait3A_132 = arith.constant 0 : i32
        %dma_wait3A_133 = arith.constant 0 : i32
        %dma_wait3A_134 = tpu.memref_slice %arg2[%dma_wait3A_132, %dma_wait3A_133] : memref<10000x128xf32, #tpu.memory_space<hbm>> -> memref<10000x128xf32, #tpu.memory_space<hbm>>
        tpu.wait_indirect_dma semaphore(%arg15 : memref<!tpu.dma_semaphore, #tpu.memory_space<semaphore_mem>>) src(%dma_wait3A_134 : memref<10000x128xf32, #tpu.memory_space<hbm>>) dst(%arg11 : memref<100x128xf32, #tpu.memory_space<vmem>>)
        %add3A_135 = arith.constant 1 : i32
        %add3A_136 = arith.addi %mul3A_72, %add3A_135 : i32
        %dma_wait3A_137 = arith.constant 0 : i32
        %dma_wait3A_138 = tpu.memref_slice %arg8[%add3A_136, %dma_wait3A_137] : memref<25x100xi32, #tpu.memory_space<vmem>> -> memref<1x100xi32, #tpu.memory_space<vmem>>
        %dma_wait3A_139 = tpu.memref_squeeze %dma_wait3A_138 : memref<1x100xi32, #tpu.memory_space<vmem>> -> memref<100xi32, #tpu.memory_space<vmem>>
        %dma_wait3A_140 = arith.constant 0 : i32
        %dma_wait3A_141 = arith.constant 0 : i32
        %dma_wait3A_142 = tpu.memref_slice %arg12[%dma_wait3A_140, %dma_wait3A_141] : memref<10000x128xf32, #tpu.memory_space<vmem_shared>> -> memref<10000x128xf32, #tpu.memory_space<vmem_shared>>
        tpu.wait_indirect_dma semaphore(%arg17 : memref<!tpu.dma_semaphore, #tpu.memory_space<semaphore_mem>>) src(%arg10 : memref<100x128xf32, #tpu.memory_space<vmem>>) dst(%dma_wait3A_142 : memref<10000x128xf32, #tpu.memory_space<vmem_shared>>)
        %lt3A_143 = arith.constant 7 : i32
        %lt3A_144 = arith.cmpi slt, %scan3A_70, %lt3A_143 : i32
        %convert_element_type3A_145 = arith.extui %lt3A_144 : i1 to i32
        %cond3A_146 = arith.constant 0 : i32
        %cond3A_147 = arith.cmpi ne, %convert_element_type3A_145, %cond3A_146 : i32
        scf.if %cond3A_147 {
          %add3A_156 = arith.constant 4 : i32
          %add3A_157 = arith.addi %mul3A_72, %add3A_156 : i32
          %dma_start3A_158 = arith.constant 0 : i32
          %dma_start3A_159 = tpu.memref_slice %arg7[%add3A_157, %dma_start3A_158] : memref<25x100xi32, #tpu.memory_space<vmem>> -> memref<1x100xi32, #tpu.memory_space<vmem>>
          %dma_start3A_160 = tpu.memref_squeeze %dma_start3A_159 : memref<1x100xi32, #tpu.memory_space<vmem>> -> memref<100xi32, #tpu.memory_space<vmem>>
          %dma_start3A_161 = arith.constant 0 : i32
          %dma_start3A_162 = arith.constant 0 : i32
          %dma_start3A_163 = tpu.memref_slice %arg2[%dma_start3A_161, %dma_start3A_162] : memref<10000x128xf32, #tpu.memory_space<hbm>> -> memref<10000x128xf32, #tpu.memory_space<hbm>>
          tpu.enqueue_indirect_dma source(%dma_start3A_163 : memref<10000x128xf32, #tpu.memory_space<hbm>>) target(%arg10 : memref<100x128xf32, #tpu.memory_space<vmem>>) offsets(%dma_start3A_160 : memref<100xi32, #tpu.memory_space<vmem>>) semaphore(%arg14 : memref<!tpu.dma_semaphore, #tpu.memory_space<semaphore_mem>>)
        } else {
        }
        %add3A_148 = arith.constant 2 : i32
        %add3A_149 = arith.addi %mul3A_72, %add3A_148 : i32
        %dma_start3A_150 = arith.constant 0 : i32
        %dma_start3A_151 = tpu.memref_slice %arg8[%add3A_149, %dma_start3A_150] : memref<25x100xi32, #tpu.memory_space<vmem>> -> memref<1x100xi32, #tpu.memory_space<vmem>>
        %dma_start3A_152 = tpu.memref_squeeze %dma_start3A_151 : memref<1x100xi32, #tpu.memory_space<vmem>> -> memref<100xi32, #tpu.memory_space<vmem>>
        %dma_start3A_153 = arith.constant 0 : i32
        %dma_start3A_154 = arith.constant 0 : i32
        %dma_start3A_155 = tpu.memref_slice %arg12[%dma_start3A_153, %dma_start3A_154] : memref<10000x128xf32, #tpu.memory_space<vmem_shared>> -> memref<10000x128xf32, #tpu.memory_space<vmem_shared>>
        tpu.enqueue_indirect_dma source(%arg11 : memref<100x128xf32, #tpu.memory_space<vmem>>) target(%dma_start3A_155 : memref<10000x128xf32, #tpu.memory_space<vmem_shared>>) offsets(%dma_start3A_152 : memref<100xi32, #tpu.memory_space<vmem>>) semaphore(%arg18 : memref<!tpu.dma_semaphore, #tpu.memory_space<semaphore_mem>>) {add = true}
      }
      %scan3A_42 = arith.constant 8 : i32
      %dma_wait3A = arith.constant 24 : i32
      %dma_wait3A_43 = arith.constant 0 : i32
      %dma_wait3A_44 = tpu.memref_slice %arg7[%dma_wait3A, %dma_wait3A_43] : memref<25x100xi32, #tpu.memory_space<vmem>> -> memref<1x100xi32, #tpu.memory_space<vmem>>
      %dma_wait3A_45 = tpu.memref_squeeze %dma_wait3A_44 : memref<1x100xi32, #tpu.memory_space<vmem>> -> memref<100xi32, #tpu.memory_space<vmem>>
      %dma_wait3A_46 = arith.constant 0 : i32
      %dma_wait3A_47 = arith.constant 0 : i32
      %dma_wait3A_48 = tpu.memref_slice %arg2[%dma_wait3A_46, %dma_wait3A_47] : memref<10000x128xf32, #tpu.memory_space<hbm>> -> memref<10000x128xf32, #tpu.memory_space<hbm>>
      tpu.wait_indirect_dma semaphore(%arg13 : memref<!tpu.dma_semaphore, #tpu.memory_space<semaphore_mem>>) src(%dma_wait3A_48 : memref<10000x128xf32, #tpu.memory_space<hbm>>) dst(%arg9 : memref<100x128xf32, #tpu.memory_space<vmem>>)
      %dma_wait3A_49 = arith.constant 23 : i32
      %dma_wait3A_50 = arith.constant 0 : i32
      %dma_wait3A_51 = tpu.memref_slice %arg8[%dma_wait3A_49, %dma_wait3A_50] : memref<25x100xi32, #tpu.memory_space<vmem>> -> memref<1x100xi32, #tpu.memory_space<vmem>>
      %dma_wait3A_52 = tpu.memref_squeeze %dma_wait3A_51 : memref<1x100xi32, #tpu.memory_space<vmem>> -> memref<100xi32, #tpu.memory_space<vmem>>
      %dma_wait3A_53 = arith.constant 0 : i32
      %dma_wait3A_54 = arith.constant 0 : i32
      %dma_wait3A_55 = tpu.memref_slice %arg12[%dma_wait3A_53, %dma_wait3A_54] : memref<10000x128xf32, #tpu.memory_space<vmem_shared>> -> memref<10000x128xf32, #tpu.memory_space<vmem_shared>>
      tpu.wait_indirect_dma semaphore(%arg18 : memref<!tpu.dma_semaphore, #tpu.memory_space<semaphore_mem>>) src(%arg11 : memref<100x128xf32, #tpu.memory_space<vmem>>) dst(%dma_wait3A_55 : memref<10000x128xf32, #tpu.memory_space<vmem_shared>>)
      %dma_start3A_56 = arith.constant 24 : i32
      %dma_start3A_57 = arith.constant 0 : i32
      %dma_start3A_58 = tpu.memref_slice %arg8[%dma_start3A_56, %dma_start3A_57] : memref<25x100xi32, #tpu.memory_space<vmem>> -> memref<1x100xi32, #tpu.memory_space<vmem>>
      %dma_start3A_59 = tpu.memref_squeeze %dma_start3A_58 : memref<1x100xi32, #tpu.memory_space<vmem>> -> memref<100xi32, #tpu.memory_space<vmem>>
      %dma_start3A_60 = arith.constant 0 : i32
      %dma_start3A_61 = arith.constant 0 : i32
      %dma_start3A_62 = tpu.memref_slice %arg12[%dma_start3A_60, %dma_start3A_61] : memref<10000x128xf32, #tpu.memory_space<vmem_shared>> -> memref<10000x128xf32, #tpu.memory_space<vmem_shared>>
      tpu.enqueue_indirect_dma source(%arg9 : memref<100x128xf32, #tpu.memory_space<vmem>>) target(%dma_start3A_62 : memref<10000x128xf32, #tpu.memory_space<vmem_shared>>) offsets(%dma_start3A_59 : memref<100xi32, #tpu.memory_space<vmem>>) semaphore(%arg16 : memref<!tpu.dma_semaphore, #tpu.memory_space<semaphore_mem>>) {add = true}
      %dma_wait3A_63 = arith.constant 24 : i32
      %dma_wait3A_64 = arith.constant 0 : i32
      %dma_wait3A_65 = tpu.memref_slice %arg8[%dma_wait3A_63, %dma_wait3A_64] : memref<25x100xi32, #tpu.memory_space<vmem>> -> memref<1x100xi32, #tpu.memory_space<vmem>>
      %dma_wait3A_66 = tpu.memref_squeeze %dma_wait3A_65 : memref<1x100xi32, #tpu.memory_space<vmem>> -> memref<100xi32, #tpu.memory_space<vmem>>
      %dma_wait3A_67 = arith.constant 0 : i32
      %dma_wait3A_68 = arith.constant 0 : i32
      %dma_wait3A_69 = tpu.memref_slice %arg12[%dma_wait3A_67, %dma_wait3A_68] : memref<10000x128xf32, #tpu.memory_space<vmem_shared>> -> memref<10000x128xf32, #tpu.memory_space<vmem_shared>>
      tpu.wait_indirect_dma semaphore(%arg16 : memref<!tpu.dma_semaphore, #tpu.memory_space<semaphore_mem>>) src(%arg9 : memref<100x128xf32, #tpu.memory_space<vmem>>) dst(%dma_wait3A_69 : memref<10000x128xf32, #tpu.memory_space<vmem_shared>>)
    }
    %scan3A_11 = arith.constant 4 : i32
    %barrier3A_12 = arith.constant 0 : index
    tpu.barrier barrier_id(%barrier3A_12)
    %lt3A_13 = arith.constant 15 : i32
    %lt3A_14 = arith.cmpi slt, %arg1, %lt3A_13 : i32
    %convert_element_type3A_15 = arith.extui %lt3A_14 : i1 to i32
    %cond3A_16 = arith.constant 0 : i32
    %cond3A_17 = arith.cmpi ne, %convert_element_type3A_15, %cond3A_16 : i32
    scf.if %cond3A_17 {
      %mul3A_23 = arith.constant 632 : i32
      %mul3A_24 = arith.muli %arg1, %mul3A_23 : i32
      %mul3A_25 = arith.constant 632 : i32
      %mul3A_26 = arith.muli %arg1, %mul3A_25 : i32
      "tpu.region"() ({
        %run_scoped3A = tpu.sem_alloc : memref<!tpu.dma_semaphore, #tpu.memory_space<semaphore_mem>>
        %dma_start3A = arith.constant 0 : i32
        %dma_start3A_27 = tpu.memref_slice %arg6[%arg0, %mul3A_26, %dma_start3A] : memref<2x10000x128xf32, #tpu.memory_space<hbm>> -> memref<1x632x128xf32, #tpu.memory_space<hbm>>
        %dma_start3A_28 = tpu.memref_squeeze %dma_start3A_27 : memref<1x632x128xf32, #tpu.memory_space<hbm>> -> memref<632x128xf32, #tpu.memory_space<hbm>>
        %dma_start3A_29 = arith.constant 0 : i32
        %dma_start3A_30 = tpu.memref_slice %arg12[%mul3A_24, %dma_start3A_29] : memref<10000x128xf32, #tpu.memory_space<vmem_shared>> -> memref<632x128xf32, #tpu.memory_space<vmem_shared>>
        tpu.enqueue_dma source(%dma_start3A_30 : memref<632x128xf32, #tpu.memory_space<vmem_shared>>) target(%dma_start3A_28 : memref<632x128xf32, #tpu.memory_space<hbm>>) target_semaphore(%run_scoped3A : memref<!tpu.dma_semaphore, #tpu.memory_space<semaphore_mem>>)
        %dma_wait3A = arith.constant 0 : i32
        %dma_wait3A_31 = tpu.memref_slice %arg6[%arg0, %mul3A_26, %dma_wait3A] : memref<2x10000x128xf32, #tpu.memory_space<hbm>> -> memref<1x632x128xf32, #tpu.memory_space<hbm>>
        %dma_wait3A_32 = tpu.memref_squeeze %dma_wait3A_31 : memref<1x632x128xf32, #tpu.memory_space<hbm>> -> memref<632x128xf32, #tpu.memory_space<hbm>>
        %dma_wait3A_33 = arith.constant 0 : i32
        %dma_wait3A_34 = tpu.memref_slice %arg12[%mul3A_24, %dma_wait3A_33] : memref<10000x128xf32, #tpu.memory_space<vmem_shared>> -> memref<632x128xf32, #tpu.memory_space<vmem_shared>>
        tpu.wait_dma2 semaphore(%run_scoped3A : memref<!tpu.dma_semaphore, #tpu.memory_space<semaphore_mem>>) src(%dma_wait3A_34 : memref<632x128xf32, #tpu.memory_space<vmem_shared>>) dst(%dma_wait3A_32 : memref<632x128xf32, #tpu.memory_space<hbm>>)
        tpu.yield
      }) : () -> ()
    } else {
    }
    %eq3A_18 = arith.constant 15 : i32
    %eq3A_19 = arith.cmpi eq, %arg1, %eq3A_18 : i32
    %convert_element_type3A_20 = arith.extui %eq3A_19 : i1 to i32
    %cond3A_21 = arith.constant 0 : i32
    %cond3A_22 = arith.cmpi ne, %convert_element_type3A_20, %cond3A_21 : i32
    scf.if %cond3A_22 {
      "tpu.region"() ({
        %run_scoped3A = tpu.sem_alloc : memref<!tpu.dma_semaphore, #tpu.memory_space<semaphore_mem>>
        %dma_start3A = arith.constant 9480 : i32
        %dma_start3A_23 = arith.constant 0 : i32
        %dma_start3A_24 = tpu.memref_slice %arg6[%arg0, %dma_start3A, %dma_start3A_23] : memref<2x10000x128xf32, #tpu.memory_space<hbm>> -> memref<1x520x128xf32, #tpu.memory_space<hbm>>
        %dma_start3A_25 = tpu.memref_squeeze %dma_start3A_24 : memref<1x520x128xf32, #tpu.memory_space<hbm>> -> memref<520x128xf32, #tpu.memory_space<hbm>>
        %dma_start3A_26 = arith.constant 9480 : i32
        %dma_start3A_27 = arith.constant 0 : i32
        %dma_start3A_28 = tpu.memref_slice %arg12[%dma_start3A_26, %dma_start3A_27] : memref<10000x128xf32, #tpu.memory_space<vmem_shared>> -> memref<520x128xf32, #tpu.memory_space<vmem_shared>>
        tpu.enqueue_dma source(%dma_start3A_28 : memref<520x128xf32, #tpu.memory_space<vmem_shared>>) target(%dma_start3A_25 : memref<520x128xf32, #tpu.memory_space<hbm>>) target_semaphore(%run_scoped3A : memref<!tpu.dma_semaphore, #tpu.memory_space<semaphore_mem>>)
        %dma_wait3A = arith.constant 9480 : i32
        %dma_wait3A_29 = arith.constant 0 : i32
        %dma_wait3A_30 = tpu.memref_slice %arg6[%arg0, %dma_wait3A, %dma_wait3A_29] : memref<2x10000x128xf32, #tpu.memory_space<hbm>> -> memref<1x520x128xf32, #tpu.memory_space<hbm>>
        %dma_wait3A_31 = tpu.memref_squeeze %dma_wait3A_30 : memref<1x520x128xf32, #tpu.memory_space<hbm>> -> memref<520x128xf32, #tpu.memory_space<hbm>>
        %dma_wait3A_32 = arith.constant 9480 : i32
        %dma_wait3A_33 = arith.constant 0 : i32
        %dma_wait3A_34 = tpu.memref_slice %arg12[%dma_wait3A_32, %dma_wait3A_33] : memref<10000x128xf32, #tpu.memory_space<vmem_shared>> -> memref<520x128xf32, #tpu.memory_space<vmem_shared>>
        tpu.wait_dma2 semaphore(%run_scoped3A : memref<!tpu.dma_semaphore, #tpu.memory_space<semaphore_mem>>) src(%dma_wait3A_34 : memref<520x128xf32, #tpu.memory_space<vmem_shared>>) dst(%dma_wait3A_31 : memref<520x128xf32, #tpu.memory_space<hbm>>)
        tpu.yield
      }) : () -> ()
    } else {
    }
    return
  }
}

module attributes {stable_mosaic.version = 14 : i64} {
  func.func @_prescale_body(%arg0: memref<10000x128xf32, #tpu.memory_space<vmem>>, %arg1: memref<10000x1xf32, #tpu.memory_space<vmem>>, %arg2: memref<10000x1xf32, #tpu.memory_space<vmem>>, %arg3: memref<10000x128xf32, #tpu.memory_space<vmem>>) attributes {dimension_semantics = [], scalar_prefetch = 0 : i64, scratch_operands = 0 : i64, tpu.core_type = #tpu.core_type<tc>} {
    %get3A = arith.constant 0 : index
    %get3A_0 = arith.constant 0 : index
    %get3A_1 = vector.load %arg1[%get3A, %get3A_0] : memref<10000x1xf32, #tpu.memory_space<vmem>>, vector<10000x1xf32>
    %get3A_2 = arith.constant 0 : index
    %get3A_3 = arith.constant 0 : index
    %get3A_4 = vector.load %arg2[%get3A_2, %get3A_3] : memref<10000x1xf32, #tpu.memory_space<vmem>>, vector<10000x1xf32>
    %add3A = arith.addf %get3A_1, %get3A_4 : vector<10000x1xf32>
    %rsqrt3A = math.rsqrt %add3A : vector<10000x1xf32>
    %get3A_5 = arith.constant 0 : index
    %get3A_6 = arith.constant 0 : index
    %get3A_7 = vector.load %arg0[%get3A_5, %get3A_6] : memref<10000x128xf32, #tpu.memory_space<vmem>>, vector<10000x128xf32>
    %mul3A = vector.broadcast %rsqrt3A : vector<10000x1xf32> to vector<10000x128xf32>
    %mul3A_8 = arith.mulf %get3A_7, %mul3A : vector<10000x128xf32>
    %swap3A = arith.constant 0 : index
    %swap3A_9 = arith.constant 0 : index
    %swap3A_10 = vector.load %arg3[%swap3A, %swap3A_9] : memref<10000x128xf32, #tpu.memory_space<vmem>>, vector<10000x128xf32>
    tpu.vector_store %arg3[%swap3A, %swap3A_9], %mul3A_8 {strides = array<i32>} : memref<10000x128xf32, #tpu.memory_space<vmem>>, vector<10000x128xf32>,
    return
  }
}

module attributes {stable_mosaic.version = 14 : i64} {
  func.func @_finish_body(%arg0: memref<2x10000x128xf32, #tpu.memory_space<vmem>>, %arg1: memref<10000x1xf32, #tpu.memory_space<vmem>>, %arg2: memref<10000x1xf32, #tpu.memory_space<vmem>>, %arg3: memref<10000x128xf32, #tpu.memory_space<vmem>>) attributes {dimension_semantics = [], scalar_prefetch = 0 : i64, scratch_operands = 0 : i64, tpu.core_type = #tpu.core_type<tc>} {
    %get3A = arith.constant 0 : index
    %get3A_0 = arith.constant 0 : index
    %get3A_1 = vector.load %arg1[%get3A, %get3A_0] : memref<10000x1xf32, #tpu.memory_space<vmem>>, vector<10000x1xf32>
    %get3A_2 = arith.constant 0 : index
    %get3A_3 = arith.constant 0 : index
    %get3A_4 = vector.load %arg2[%get3A_2, %get3A_3] : memref<10000x1xf32, #tpu.memory_space<vmem>>, vector<10000x1xf32>
    %add3A = arith.addf %get3A_1, %get3A_4 : vector<10000x1xf32>
    %rsqrt3A = math.rsqrt %add3A : vector<10000x1xf32>
    %get3A_5 = arith.constant 0 : index
    %get3A_6 = arith.constant 0 : index
    %get3A_7 = arith.constant 0 : index
    %get3A_8 = vector.load %arg0[%get3A_5, %get3A_6, %get3A_7] : memref<2x10000x128xf32, #tpu.memory_space<vmem>>, vector<1x10000x128xf32>
    %get3A_9 = vector.shape_cast %get3A_8 : vector<1x10000x128xf32> to vector<10000x128xf32>
    %get3A_10 = arith.constant 1 : index
    %get3A_11 = arith.constant 0 : index
    %get3A_12 = arith.constant 0 : index
    %get3A_13 = vector.load %arg0[%get3A_10, %get3A_11, %get3A_12] : memref<2x10000x128xf32, #tpu.memory_space<vmem>>, vector<1x10000x128xf32>
    %get3A_14 = vector.shape_cast %get3A_13 : vector<1x10000x128xf32> to vector<10000x128xf32>
    %add3A_15 = arith.addf %get3A_9, %get3A_14 : vector<10000x128xf32>
    %mul3A = vector.broadcast %rsqrt3A : vector<10000x1xf32> to vector<10000x128xf32>
    %mul3A_16 = arith.mulf %mul3A, %add3A_15 : vector<10000x128xf32>
    %swap3A = arith.constant 0 : index
    %swap3A_17 = arith.constant 0 : index
    %swap3A_18 = vector.load %arg3[%swap3A, %swap3A_17] : memref<10000x128xf32, #tpu.memory_space<vmem>>, vector<10000x128xf32>
    tpu.vector_store %arg3[%swap3A, %swap3A_17], %mul3A_16 {strides = array<i32>} : memref<10000x128xf32, #tpu.memory_space<vmem>>, vector<10000x128xf32>,
    return
  }
}

</mosaic_0001>

<sc_bundles>
// kernel: kernel.6.cloned.1.call-start
scs
__scs_entry_jumppad:
0x0: {  	(pc) =	sbr.rel $0x88, $3  }
0x1: {  	(tag) =	ssettag $0x0;
	lr =	simm.s32 $0x1  }
0x2: {  	[smem:$0x3F9F] =	sst lr;
	_ =	strace $0xD0000000  }
0x3: {  	_ = 	snop  }
0x4: {  	_ = 	snop  }
0x5: {  	_ = 	snop  }
0x6: {  	_ = 	snop  }
0x7: {  	_ = 	snop  }
__scs_overlays_trampoline_lowered:
0x8: {  	[smem:$0x3FAE] =	sst s0  }
0x9: {  	[smem:$0x3FAF] =	sst s1  }
0xa: {  	[smem:$0x3FB0] =	sst s2  }
0xb: {  	[smem:$0x3FB1] =	sst s3  }
0xc: {  	[smem:$0x3FB2] =	sst s4  }
0xd: {  	[smem:$0x3FB3] =	sst s5  }
0xe: {  	[smem:$0x3FB4] =	sst s6  }
0xf: {  	[smem:$0x3FB5] =	sst s7  }
0x10: {  	[smem:$0x3FB6] =	sst s8  }
0x11: {  	[smem:$0x3FB7] =	sst s9;
	s0 =	simm.s32 @!p0 $0x0  }
0x12: {  	s1 =	sld [smem:$0x3F9D];
	s0 =	simm.s32 @p0 $0x1  }
0x13: {  	[smem:$0x3FB8] =	sst s0;
	s0 =	simm.s32 @!p1 $0x0  }
0x14: {  	s2 =	sld [smem:$0x3F9C];
	s0 =	simm.s32 @p1 $0x1  }
0x15: {  	[smem:$0x3FB9] =	sst s0;
	s0 =	simm.s32 @!p2 $0x0  }
0x16: {  	s3 =	sld [smem:$0x3FDB];
	s0 =	simm.s32 @p2 $0x1  }
0x17: {  	s4 =	simm.s32 $0x1BF5;
	[smem:$0x3FBB] =	sst s0  }
0x18: {  	s0 =	sld [smem:$0x3F9E];
	_ =	swait.ge [sflag:s4], $0x0  }
0x19: {  	s7 =	sld [smem:$0x3F9F]  }
0x1a: {  	s8 =	sadd.s32 $0xFFFFE003, lr  }
0x1b: {  	s9 =	sadd.s32 $0xFFFFFEF7, lr;
	s5 =	simm.s32 $0xFFFFFFFF;
	p2 =	slt.u32 s8, $0xFFFFF086  }
0x1c: {  	p1 =	slt.u32 s9, $0xF7A;
	s5 =	simm.s32 @!p2 $0x0  }
0x1d: {  	s5 =	simm.s32 @p1 $0x1;
	p0 =	seq.s32 s7, s2  }
0x1e: {  	s7 =	smul.u32 @!p0 $0xF7A, s2;
	p2 =	seq.s32 @!p0 s5, $0x0  }
0x1f: {  	s9 =	smul.u32 $0xF7A, s1;
	s8 =	simm.s32 @!p0 $0x1BF5;
	p2 =	por !p2, p0  }
0x20: {  	[sflag:s8] =	ssyncset.s32 @!p0 $0xFFFFF086;
	s6 =	sadd.s32 @!p0 s3, s7;
	s7 =	simm.s32 @!p0 $0x108  }
0x21: {  	s3 =	sadd.s32 s3, s9;
	s6 =	sadd.s32 @!p0 $0x88, s6;
	s7 =	simm.s32 @p2 $0x1082  }
0x22: {  	[simem:s7], [sflag:s8] =	dma.local @!p0 [hbm:s6], $0xF7A  }
0x23: {  	s9 =	sor.u32 $0xD0000000, s2;
	s6 =	simm.s32 $0x108;
	_ =	swait.ge @!p0 [sflag:s8], $0x0  }
0x24: {  	s3 =	sadd.s32 $0x88, s3;
	s6 =	simm.s32 @!p1 $0x1082;
	[sflag:s4] =	ssyncset.s32 $0xFFFFF086  }
0x25: {  	[simem:s6], [sflag:s4] =	dma.local [hbm:s3], $0xF7A  }
0x26: {  	[smem:$0x3F9F] =	sst s1;
	(tag) =	ssettag s2;
	_ =	strace s9  }
0x27: {  	s1 =	sld [smem:$0x3FAF]  }
0x28: {  	s2 =	sld [smem:$0x3FB0]  }
0x29: {  	s4 =	sld [smem:$0x3FB2]  }
0x2a: {  	p0 =	seq.s32 s5, $0x0;
	s5 =	sld [smem:$0x3FB3]  }
0x2b: {  	s6 =	sld [smem:$0x3FB4]  }
0x2c: {  	s7 =	sld [smem:$0x3FB5]  }
0x2d: {  	s3 =	simm.s32 $0x108;
	s8 =	sld [smem:$0x3FB6]  }
0x2e: {  	s3 =	simm.s32 @!p0 $0x1082;
	s9 =	sld [smem:$0x3FB7]  }
0x2f: {  	lr =	sadd.s32 s0, s3;
	s0 =	sld [smem:$0x3FAE]  }
0x30: {  	s3 =	sld [smem:$0x3FB1]  }
0x31: {  	[smem:$0x3FBA] =	sst s10  }
0x32: {  	s10 =	sld [smem:$0x3FB8];
	_ =	sdelay $0x3  }
0x33: {  	p0 =	seq.s32 s10, $0x1;
	s10 =	sld [smem:$0x3FBA];
	_ =	sdelay $0x3  }
0x34: {  	[smem:$0x3FBA] =	sst s10  }
0x35: {  	s10 =	sld [smem:$0x3FB9];
	_ =	sdelay $0x3  }
0x36: {  	p1 =	seq.s32 s10, $0x1;
	s10 =	sld [smem:$0x3FBA];
	_ =	sdelay $0x3  }
0x37: {  	[smem:$0x3FBA] =	sst s10  }
0x38: {  	s10 =	sld [smem:$0x3FBB]  }
0x39: {  	_ = 	snop;
	(pc) =	sbr.ind lr, $3  }
0x3a: {  	_ = 	snop  }
0x3b: {  	_ = 	snop  }
0x3c: {  	p2 =	seq.s32 s10, $0x1;
	s10 =	sld [smem:$0x3FBA]  }
0x3d: {  	_ =	shalt  }
0x3e: {  	_ =	shalt  }
0x3f: {  	_ =	shalt  }
0x40: {  	_ =	shalt  }
0x41: {  	_ =	shalt  }
0x42: {  	_ =	shalt  }
0x43: {  	_ =	shalt  }
0x44: {  	_ =	shalt  }
0x45: {  	_ =	shalt  }
0x46: {  	_ =	shalt  }
0x47: {  	_ =	shalt  }
0x48: {  	_ =	shalt  }
0x49: {  	_ =	shalt  }
0x4a: {  	_ =	shalt  }
0x4b: {  	_ =	shalt  }
0x4c: {  	_ =	shalt  }
0x4d: {  	_ =	shalt  }
0x4e: {  	_ =	shalt  }
0x4f: {  	_ =	shalt  }
0x50: {  	_ =	shalt  }
0x51: {  	_ =	shalt  }
0x52: {  	_ =	shalt  }
0x53: {  	_ =	shalt  }
0x54: {  	_ =	shalt  }
0x55: {  	_ =	shalt  }
0x56: {  	_ =	shalt  }
0x57: {  	_ =	shalt  }
0x58: {  	_ =	shalt  }
0x59: {  	_ =	shalt  }
0x5a: {  	_ =	shalt  }
0x5b: {  	_ =	shalt  }
0x5c: {  	_ =	shalt  }
0x5d: {  	_ =	shalt  }
0x5e: {  	_ =	shalt  }
0x5f: {  	_ =	shalt  }
0x60: {  	_ =	shalt  }
0x61: {  	_ =	shalt  }
0x62: {  	_ =	shalt  }
0x63: {  	_ =	shalt  }
0x64: {  	_ =	shalt  }
0x65: {  	_ =	shalt  }
0x66: {  	_ =	shalt  }
0x67: {  	_ =	shalt  }
0x68: {  	_ =	shalt  }
0x69: {  	_ =	shalt  }
0x6a: {  	_ =	shalt  }
0x6b: {  	_ =	shalt  }
0x6c: {  	_ =	shalt  }
0x6d: {  	_ =	shalt  }
0x6e: {  	_ =	shalt  }
0x6f: {  	_ =	shalt  }
0x70: {  	_ =	shalt  }
0x71: {  	_ =	shalt  }
0x72: {  	_ =	shalt  }
0x73: {  	_ =	shalt  }
0x74: {  	_ =	shalt  }
0x75: {  	_ =	shalt  }
0x76: {  	_ =	shalt  }
0x77: {  	_ =	shalt  }
0x78: {  	_ =	shalt  }
0x79: {  	_ =	shalt  }
0x7a: {  	_ =	shalt  }
0x7b: {  	_ =	shalt  }
0x7c: {  	_ =	shalt  }
0x7d: {  	_ =	shalt  }
0x7e: {  	_ =	shalt  }
0x7f: {  	_ =	shalt  }
0x80: {  	_ =	shalt  }
0x81: {  	_ =	shalt  }
0x82: {  	_ =	shalt  }
0x83: {  	_ =	shalt  }
0x84: {  	_ =	shalt  }
0x85: {  	_ =	shalt  }
0x86: {  	_ =	shalt  }
0x87: {  	_ =	shalt  }
.Lfunc_end0:
.L_simem_size_0:
called_computation_lowered:
.L_overlay_start_0:
0x88: {  	s2 =	sld [smem:$0x3FD9]  }
0x89: {  	s3 =	sld [smem:$0x3FFE];
	_ =	sdelay $0x1  }
0x8a: {  	s1 =	srdreg.scid  }
0x8b: {  	s0 =	sand.u32 $0x1, s1  }
0x8c: {  	s17 =	sshll.u32 s0, $0xA;
	s2 =	sadd.s32 s3, s2  }
0x8d: {  	s2 =	sadd.s32 s2, s17  }
0x8e: {  	[smem:$0x3FC6] =	sst s2  }
0x8f: {  	_ = 	snop  }
0x90: {  	s2 =	sld [smem:$0x3FD0];
	(tm) =	ssettm $0x1  }
0x91: {  	s18 =	sld [smem:$0x3FFB];
	_ =	sdelay $0x3  }
0x92: {  	_ =	strace s18  }
0x93: {  	s3 =	sld [smem:$0x3FFC];
	_ =	sdelay $0x3  }
0x94: {  	_ =	strace s3  }
0x95: {  	s3 =	sld [smem:$0x3FFD];
	_ =	sdelay $0x3  }
0x96: {  	_ =	strace s3  }
0x97: {  	_ =	strace $0x8FFFFFFF  }
0x98: {  	s19 =	sld [smem:$0x3FDB];
	_ =	sdelay $0x1  }
0x99: {  	s4 =	simm.s32 $_scs_section_size  }
0x9a: {  	s5 =	simm.s32 $_size__tile_overlayer_lowered;
	s6 =	simm.s32 $_tile_overlayer_lowered  }
0x9b: {  	s22 =	simm.s32 $0x1BFF;
	s21 =	sshll.u32 s6, $0x1;
	s3 =	sadd.s32 s4, s19  }
0x9c: {  	s7 =	simm.s32 $0x0;
	s20 =	sshll.u32 s5, $0x1;
	s5 =	sadd.s32 s21, s3  }
0x9d: {  	[timem:s7], [sflag:s22] =	dma.local [hbm:s5], s20  }
0x9e: {  	_ =	swait.ge [sflag:s22], s20  }
0x9f: {  	s4 =	ssub.s32 $0x0, s20;
	[sflag:s22] =	ssyncset.done $0x0  }
0xa0: {  	[sflag:s22] =	ssyncadd.s32 s4;
	_ =	sdelay $0x1  }
0xa1: {  	s23 =	simm.s32 $0x1B8B  }
0xa2: {  	_ =	swait.ge [sflag:s23], $0x1  }
0xa3: {  	[sflag:s23] =	ssyncset.done $0x0  }
0xa4: {  	s25 =	simm.s32 $0x1B8E;
	s24 =	sld [smem:$0x3FFE];
	[sflag:s23] =	ssyncadd.s32 $0xFFFFFFFF  }
0xa5: {  	s26 =	simm.s32 $execute0_lowered;
	[smem:$0x3FD2] =	sst s25  }
0xa6: {  	s5 =	sshll.u32 s26, $0x1;
	_ =	strace $0x80000046;
	[dreg:$0x1] =	wrdreg $0xFFFFFFFF  }
0xa7: {  	s28 =	simm.s32 $_size_execute0_lowered;
	s3 =	sadd.s32 s3, s5;
	[dreg:$0x0] =	wrdreg $0x0  }
0xa8: {  	s5 =	sshll.u32 s28, $0x1;
	[dreg:$0x2] =	wrdreg s3  }
0xa9: {  	[dreg:$0x3] =	wrdreg s5  }
0xaa: {  	[dreg:$0x4] =	wrdreg $0xC0  }
0xab: {  	_ =	task [dreg:s7], $0x5FFFF  }
0xac: {  	[dreg:$0x1] =	wrdreg $0xFFFFFFFF  }
0xad: {  	[dreg:$0x0] =	wrdreg $0x60  }
0xae: {  	[dreg:$0x2] =	wrdreg s24  }
0xaf: {  	[dreg:$0x3] =	wrdreg s2  }
0xb0: {  	[dreg:$0x4] =	wrdreg $0x10800  }
0xb1: {  	[dreg:$0x5] =	wrdreg $0x9  }
0xb2: {  	_ =	task.clear_ibuf [dreg:s7], $0x6FFFF;
	_ =	strace $0x90000046  }
0xb3: {  	s29 =	simm.s32 $0x9;
	_ =	strace $0x80000048  }
0xb4: {  	_ =	swait.ge [sflag:s29], $0x1  }
0xb5: {  	[sflag:s29] =	ssyncadd.s32 $0xFFFFFFFF  }
0xb6: {  	_ =	strace $0x90000048  }
0xb7: {  	_ =	sfence  }
0xb8: {  	s30 =	sld [smem:$0x0];
	_ =	sdelay $0x2  }
0xb9: {  	s31 =	sshll.u32 s1, $0xD;
	s1 =	sshrl.u32 s1, $0x2  }
0xba: {  	s3 =	sand.u32 $0x4000, s31;
	s1 =	sadd.s32 s1, s30  }
0xbb: {  	s0 =	sor.u32 s3, s0;
	s1 =	sshll.u32 s1, $0x11  }
0xbc: {  	s0 =	sor.u32 s1, s0  }
0xbd: {  	s0 =	sadd.s32 $0x8F2B, s0  }
0xbe: {  	[sflag:s0] =	ssyncadd.remote.s32 $0x1  }
0xbf: {  	_ =	sfence.sel $0xFFFF  }
0xc0: {  	[dreg:$0x0] =	wrdreg $0xFFFFFFFF;
	(pc) =	sbr.abs _section_cstart, $3  }
0xc1: {  	[dreg:$0x1] =	wrdreg $0xFFFFFFFF  }
0xc2: {  	_ =	task.clear_ibuf [dreg:s7], $0x2FFFF;
	_ =	strace $0x9FFFFFFF  }
0xc3: {  	(tm) =	ssettm $0x7FFFFFFF  }
tec
execute0_lowered:
.L_overlay_start_1:
0x0: {  	(tag) =	ssettag $0x1  }
0x1: {  	s0 =	rddreg [dreg:$0x0]  }
0x2: {  	s3 =	rddreg [dreg:$0x1]  }
0x3: {  	s1 =	rddreg [dreg:$0x2];
	s2 =	simm.s32 $0x0  }
0x4: {  	s4 =	stileid.u32;
	s5 =	srdreg.scid;
	s25 =	simm.s32 $0x80  }
0x5: {  	s26 =	simm.s32 $0x100;
	s9 =	simm.s32 $0x1000;
	s11 =	simm.s32 $0x200  }
0x6: {  	s12 =	simm.s32 $0x280;
	s13 =	simm.s32 $0x300;
	s14 =	simm.s32 $0x380  }
0x7: {  	s15 =	simm.s32 $0x400;
	s16 =	simm.s32 $0x480;
	s17 =	simm.s32 $0x500  }
0x8: {  	s18 =	simm.s32 $0x580;
	s19 =	simm.s32 $0x600;
	s20 =	simm.s32 $0x680  }
0x9: {  	s21 =	simm.s32 $0x700;
	s28 =	simm.s32 $0xA00;
	s29 =	simm.s32 $0xA80  }
0xa: {  	s30 =	simm.s32 $0xB00;
	s31 =	simm.s32 $0xB80;
	s10 =	simm.s32 $0x0  }
0xb: {  	[smem:$0x7FF] =	sst s2;
	s6 =	sshll.u32 s4, $0xC;
	s5 =	sand.u32 $0x1, s5  }
0xc: {  	p0 =	sne.s32 s4, $0x0;
	_ =	strace $0x80000047;
	s6 =	sadd.s32 s6, s0  }
0xd: {  	s0 =	sadd.s32 $0x10E00, s0;
	s22 =	ssub.s32 $0x2, s5;
	[dreg:$0x5] =	wrdreg s25  }
0xe: {  	s8 =	sshll.u32 s5, $0xB;
	s5 =	sshll.u32 s5, $0x4;
	[dreg:$0x6] =	wrdreg s26  }
0xf: {  	s25 =	simm.s32 $0x900;
	s26 =	simm.s32 $0x980;
	[dreg:$0x7] =	wrdreg s0  }
0x10: {  	s7 =	sshrl.u32 s22, $0x1;
	s3 =	sadd.s32 s3, s5;
	s23 =	sadd.s32 s8, s6  }
0x11: {  	s6 =	sshrl.u32 @!p0 s1, $0x3;
	s8 =	simm.s32 $0x64;
	s0 =	ssub.s32 s22, s7  }
0x12: {  	[dreg:$0x8] =	wrdreg s3;
	s24 =	sadd.s32 $0xE00, s23;
	s7 =	simm.s32 $0x2  }
0x13: {  	s22 =	simm.s32 $0x780;
	s23 =	simm.s32 $0x800;
	[dreg:$0xa] =	wrdreg s6  }
0x14: {  	s3 =	simm.s32 $0x1;
	s0 =	smax.u32 s0, $0x1;
	[dreg:$0x4] =	wrdreg s24  }
0x15: {  	v0 =	vimm.f32 $1.000000000e+00;
	s24 =	simm.s32 $0x880;
	[dreg:$0x9] =	wrdreg s0;
	s0 =	simm.s32 $0xC00  }
.LBB2_1:
0x16: {  	[tilespmem:$0x1000] =	vst v0  }
0x17: {  	[tilespmem:$0x1010] =	vst v0  }
0x18: {  	[tilespmem:$0x1020] =	vst v0  }
0x19: {  	[tilespmem:$0x1030] =	vst v0  }
0x1a: {  	[tilespmem:$0x1040] =	vst v0  }
0x1b: {  	[dreg:$0xb] =	wrdreg s10;
	[tilespmem:$0x1050] =	vst v0  }
0x1c: {  	s4 =	simm.s32 @!p0 $0x1C02;
	s5 =	rddreg [dreg:$0x7];
	[tilespmem:$0x1054] =	vst v0  }
0x1d: {  	[spmem:s6], [sflag:s4] =	dma.local @!p0 [hbm:s5], $0x4F0  }
0x1e: {  	s4 =	simm.s32 @!p0 $0x2  }
0x1f: {  	_ =	swait.ge @!p0 [sflag:s4], $0x4F0  }
0x20: {  	[sflag:s4] =	ssyncset.done @!p0 $0x0  }
0x21: {  	[sflag:s4] =	ssyncadd.s32 @!p0 $0xFFFFFB10  }
0x22: {  	[bflag:$0x0] =	sbarrier.arrive $0xFFFF  }
0x23: {  	s10 =	rddreg [dreg:$0x4]  }
0x24: {  	s4 =	sadd.s32 $0x0, s10  }
0x25: {  	[tilespmem:s2], [sflag:$0x2] =	stream.linear.gather [hbm4b:s4+s2], $0xC80, $0x38;
	[tilespmem:$0x12F8] =	vst v63  }
0x26: {  	_ =	swait.ge [sflag:s7], $0xC80  }
0x27: {  	[sflag:s7] =	ssyncset.done $0x0  }
0x28: {  	[sflag:s7] =	ssyncadd.s32 $0xFFFFF380  }
0x29: {  	[spmem:s1] =	stream.indirect.scatter.add.f32 [tilespmem:s9], [sflag:$0x1], $0x1, s2, s8, $0xb8;
	[tilespmem:$0x12F8] =	vst v63  }
0x2a: {  	s5 =	rddreg [dreg:$0x5]  }
0x2b: {  	[spmem:s1] =	stream.indirect.scatter.add.f32 [tilespmem:s9], [sflag:$0x1], $0x1, s5, s8, $0xb8;
	[tilespmem:$0x12F8] =	vst v63  }
0x2c: {  	s6 =	rddreg [dreg:$0x6]  }
0x2d: {  	[spmem:s1] =	stream.indirect.scatter.add.f32 [tilespmem:s9], [sflag:$0x1], $0x1, s6, s8, $0xb8;
	[tilespmem:$0x12F8] =	vst v63  }
0x2e: {  	s10 =	simm.s32 $0x180  }
0x2f: {  	[spmem:s1] =	stream.indirect.scatter.add.f32 [tilespmem:s9], [sflag:$0x1], $0x1, s10, s8, $0xb8;
	[tilespmem:$0x12F8] =	vst v63  }
0x30: {  	_ = 	snop  }
0x31: {  	[spmem:s1] =	stream.indirect.scatter.add.f32 [tilespmem:s9], [sflag:$0x1], $0x1, s11, s8, $0xb8;
	[tilespmem:$0x12F8] =	vst v63  }
0x32: {  	_ = 	snop  }
0x33: {  	[spmem:s1] =	stream.indirect.scatter.add.f32 [tilespmem:s9], [sflag:$0x1], $0x1, s12, s8, $0xb8;
	[tilespmem:$0x12F8] =	vst v63  }
0x34: {  	_ = 	snop  }
0x35: {  	[spmem:s1] =	stream.indirect.scatter.add.f32 [tilespmem:s9], [sflag:$0x1], $0x1, s13, s8, $0xb8;
	[tilespmem:$0x12F8] =	vst v63  }
0x36: {  	_ = 	snop  }
0x37: {  	[spmem:s1] =	stream.indirect.scatter.add.f32 [tilespmem:s9], [sflag:$0x1], $0x1, s14, s8, $0xb8;
	[tilespmem:$0x12F8] =	vst v63  }
0x38: {  	_ = 	snop  }
0x39: {  	[spmem:s1] =	stream.indirect.scatter.add.f32 [tilespmem:s9], [sflag:$0x1], $0x1, s15, s8, $0xb8;
	[tilespmem:$0x12F8] =	vst v63  }
0x3a: {  	_ = 	snop  }
0x3b: {  	[spmem:s1] =	stream.indirect.scatter.add.f32 [tilespmem:s9], [sflag:$0x1], $0x1, s16, s8, $0xb8;
	[tilespmem:$0x12F8] =	vst v63  }
0x3c: {  	_ = 	snop  }
0x3d: {  	[spmem:s1] =	stream.indirect.scatter.add.f32 [tilespmem:s9], [sflag:$0x1], $0x1, s17, s8, $0xb8;
	[tilespmem:$0x12F8] =	vst v63  }
0x3e: {  	_ = 	snop  }
0x3f: {  	[spmem:s1] =	stream.indirect.scatter.add.f32 [tilespmem:s9], [sflag:$0x1], $0x1, s18, s8, $0xb8;
	[tilespmem:$0x12F8] =	vst v63  }
0x40: {  	_ = 	snop  }
0x41: {  	[spmem:s1] =	stream.indirect.scatter.add.f32 [tilespmem:s9], [sflag:$0x1], $0x1, s19, s8, $0xb8;
	[tilespmem:$0x12F8] =	vst v63  }
0x42: {  	_ = 	snop  }
0x43: {  	[spmem:s1] =	stream.indirect.scatter.add.f32 [tilespmem:s9], [sflag:$0x1], $0x1, s20, s8, $0xb8;
	[tilespmem:$0x12F8] =	vst v63  }
0x44: {  	_ = 	snop  }
0x45: {  	[spmem:s1] =	stream.indirect.scatter.add.f32 [tilespmem:s9], [sflag:$0x1], $0x1, s21, s8, $0xb8;
	[tilespmem:$0x12F8] =	vst v63  }
0x46: {  	_ = 	snop  }
0x47: {  	[spmem:s1] =	stream.indirect.scatter.add.f32 [tilespmem:s9], [sflag:$0x1], $0x1, s22, s8, $0xb8;
	[tilespmem:$0x12F8] =	vst v63  }
0x48: {  	_ = 	snop  }
0x49: {  	[spmem:s1] =	stream.indirect.scatter.add.f32 [tilespmem:s9], [sflag:$0x1], $0x1, s23, s8, $0xb8;
	[tilespmem:$0x12F8] =	vst v63  }
0x4a: {  	_ = 	snop  }
0x4b: {  	[spmem:s1] =	stream.indirect.scatter.add.f32 [tilespmem:s9], [sflag:$0x1], $0x1, s24, s8, $0xb8;
	[tilespmem:$0x12F8] =	vst v63  }
0x4c: {  	_ = 	snop  }
0x4d: {  	[spmem:s1] =	stream.indirect.scatter.add.f32 [tilespmem:s9], [sflag:$0x1], $0x1, s25, s8, $0xb8;
	[tilespmem:$0x12F8] =	vst v63  }
0x4e: {  	_ = 	snop  }
0x4f: {  	[spmem:s1] =	stream.indirect.scatter.add.f32 [tilespmem:s9], [sflag:$0x1], $0x1, s26, s8, $0xb8;
	[tilespmem:$0x12F8] =	vst v63  }
0x50: {  	_ = 	snop  }
0x51: {  	[spmem:s1] =	stream.indirect.scatter.add.f32 [tilespmem:s9], [sflag:$0x1], $0x1, s28, s8, $0xb8;
	[tilespmem:$0x12F8] =	vst v63  }
0x52: {  	_ = 	snop  }
0x53: {  	[spmem:s1] =	stream.indirect.scatter.add.f32 [tilespmem:s9], [sflag:$0x1], $0x1, s29, s8, $0xb8;
	[tilespmem:$0x12F8] =	vst v63  }
0x54: {  	_ = 	snop  }
0x55: {  	[spmem:s1] =	stream.indirect.scatter.add.f32 [tilespmem:s9], [sflag:$0x1], $0x1, s30, s8, $0xb8;
	[tilespmem:$0x12F8] =	vst v63  }
0x56: {  	_ = 	snop  }
0x57: {  	[spmem:s1] =	stream.indirect.scatter.add.f32 [tilespmem:s9], [sflag:$0x1], $0x1, s31, s8, $0xb8;
	[tilespmem:$0x12F8] =	vst v63  }
0x58: {  	_ = 	snop  }
0x59: {  	[spmem:s1] =	stream.indirect.scatter.add.f32 [tilespmem:s9], [sflag:$0x1], $0x1, s0, s8, $0xb8;
	[tilespmem:$0x12F8] =	vst v63  }
0x5a: {  	_ =	swait.ge [sflag:s3], $0x64  }
0x5b: {  	[sflag:s3] =	ssyncset.done $0x0  }
0x5c: {  	[sflag:s3] =	ssyncadd.s32 $0xFFFFFF9C  }
0x5d: {  	_ =	swait.ge [sflag:s3], $0x64  }
0x5e: {  	[sflag:s3] =	ssyncset.done $0x0  }
0x5f: {  	[sflag:s3] =	ssyncadd.s32 $0xFFFFFF9C  }
0x60: {  	_ =	swait.ge [sflag:s3], $0x64  }
0x61: {  	[sflag:s3] =	ssyncset.done $0x0  }
0x62: {  	[sflag:s3] =	ssyncadd.s32 $0xFFFFFF9C  }
0x63: {  	_ =	swait.ge [sflag:s3], $0x64  }
0x64: {  	[sflag:s3] =	ssyncset.done $0x0  }
0x65: {  	[sflag:s3] =	ssyncadd.s32 $0xFFFFFF9C  }
0x66: {  	_ =	swait.ge [sflag:s3], $0x64  }
0x67: {  	[sflag:s3] =	ssyncset.done $0x0  }
0x68: {  	[sflag:s3] =	ssyncadd.s32 $0xFFFFFF9C  }
0x69: {  	_ =	swait.ge [sflag:s3], $0x64  }
0x6a: {  	[sflag:s3] =	ssyncset.done $0x0  }
0x6b: {  	[sflag:s3] =	ssyncadd.s32 $0xFFFFFF9C  }
0x6c: {  	_ =	swait.ge [sflag:s3], $0x64  }
0x6d: {  	[sflag:s3] =	ssyncset.done $0x0  }
0x6e: {  	[sflag:s3] =	ssyncadd.s32 $0xFFFFFF9C  }
0x6f: {  	_ =	swait.ge [sflag:s3], $0x64  }
0x70: {  	[sflag:s3] =	ssyncset.done $0x0  }
0x71: {  	[sflag:s3] =	ssyncadd.s32 $0xFFFFFF9C  }
0x72: {  	_ =	swait.ge [sflag:s3], $0x64  }
0x73: {  	[sflag:s3] =	ssyncset.done $0x0  }
0x74: {  	[sflag:s3] =	ssyncadd.s32 $0xFFFFFF9C  }
0x75: {  	_ =	swait.ge [sflag:s3], $0x64  }
0x76: {  	[sflag:s3] =	ssyncset.done $0x0  }
0x77: {  	[sflag:s3] =	ssyncadd.s32 $0xFFFFFF9C  }
0x78: {  	_ =	swait.ge [sflag:s3], $0x64  }
0x79: {  	[sflag:s3] =	ssyncset.done $0x0  }
0x7a: {  	[sflag:s3] =	ssyncadd.s32 $0xFFFFFF9C  }
0x7b: {  	_ =	swait.ge [sflag:s3], $0x64  }
0x7c: {  	[sflag:s3] =	ssyncset.done $0x0  }
0x7d: {  	[sflag:s3] =	ssyncadd.s32 $0xFFFFFF9C  }
0x7e: {  	_ =	swait.ge [sflag:s3], $0x64  }
0x7f: {  	[sflag:s3] =	ssyncset.done $0x0  }
0x80: {  	[sflag:s3] =	ssyncadd.s32 $0xFFFFFF9C  }
0x81: {  	_ =	swait.ge [sflag:s3], $0x64  }
0x82: {  	[sflag:s3] =	ssyncset.done $0x0  }
0x83: {  	[sflag:s3] =	ssyncadd.s32 $0xFFFFFF9C  }
0x84: {  	_ =	swait.ge [sflag:s3], $0x64  }
0x85: {  	[sflag:s3] =	ssyncset.done $0x0  }
0x86: {  	[sflag:s3] =	ssyncadd.s32 $0xFFFFFF9C  }
0x87: {  	_ =	swait.ge [sflag:s3], $0x64  }
0x88: {  	[sflag:s3] =	ssyncset.done $0x0  }
0x89: {  	[sflag:s3] =	ssyncadd.s32 $0xFFFFFF9C  }
0x8a: {  	_ =	swait.ge [sflag:s3], $0x64  }
0x8b: {  	[sflag:s3] =	ssyncset.done $0x0  }
0x8c: {  	[sflag:s3] =	ssyncadd.s32 $0xFFFFFF9C  }
0x8d: {  	_ =	swait.ge [sflag:s3], $0x64  }
0x8e: {  	[sflag:s3] =	ssyncset.done $0x0  }
0x8f: {  	[sflag:s3] =	ssyncadd.s32 $0xFFFFFF9C  }
0x90: {  	_ =	swait.ge [sflag:s3], $0x64  }
0x91: {  	[sflag:s3] =	ssyncset.done $0x0  }
0x92: {  	[sflag:s3] =	ssyncadd.s32 $0xFFFFFF9C  }
0x93: {  	_ =	swait.ge [sflag:s3], $0x64  }
0x94: {  	[sflag:s3] =	ssyncset.done $0x0  }
0x95: {  	[sflag:s3] =	ssyncadd.s32 $0xFFFFFF9C  }
0x96: {  	_ =	swait.ge [sflag:s3], $0x64  }
0x97: {  	[sflag:s3] =	ssyncset.done $0x0  }
0x98: {  	[sflag:s3] =	ssyncadd.s32 $0xFFFFFF9C  }
0x99: {  	_ =	swait.ge [sflag:s3], $0x64  }
0x9a: {  	[sflag:s3] =	ssyncset.done $0x0  }
0x9b: {  	[sflag:s3] =	ssyncadd.s32 $0xFFFFFF9C  }
0x9c: {  	_ =	swait.ge [sflag:s3], $0x64  }
0x9d: {  	[sflag:s3] =	ssyncset.done $0x0  }
0x9e: {  	[sflag:s3] =	ssyncadd.s32 $0xFFFFFF9C  }
0x9f: {  	_ =	swait.ge [sflag:s3], $0x64  }
0xa0: {  	[sflag:s3] =	ssyncset.done $0x0  }
0xa1: {  	[sflag:s3] =	ssyncadd.s32 $0xFFFFFF9C  }
0xa2: {  	s5 =	simm.s32 $0x200;
	_ =	swait.ge [sflag:s3], $0x64  }
0xa3: {  	s6 =	simm.s32 $0x400;
	s4 =	rddreg [dreg:$0x4];
	[sflag:s3] =	ssyncset.done $0x0  }
.LBB2_2:
0xa4: {  	[sflag:s3] =	ssyncadd.s32 $0xFFFFFF9C;
	s4 =	sadd.s32 s5, s4  }
0xa5: {  	[tilespmem:s2], [sflag:$0x2] =	stream.linear.gather [hbm4b:s4+s2], $0xC80, $0x38;
	[tilespmem:$0x12F8] =	vst v63  }
0xa6: {  	_ =	swait.ge [sflag:s7], $0xC80  }
0xa7: {  	[sflag:s7] =	ssyncset.done $0x0  }
0xa8: {  	[sflag:s7] =	ssyncadd.s32 $0xFFFFF380  }
0xa9: {  	[spmem:s1] =	stream.indirect.scatter.add.f32 [tilespmem:s9], [sflag:$0x1], $0x1, s2, s8, $0xb8;
	[tilespmem:$0x12F8] =	vst v63  }
0xaa: {  	s10 =	smov.u32 s6;
	s4 =	rddreg [dreg:$0x5]  }
0xab: {  	[spmem:s1] =	stream.indirect.scatter.add.f32 [tilespmem:s9], [sflag:$0x1], $0x1, s4, s8, $0xb8;
	[tilespmem:$0x12F8] =	vst v63  }
0xac: {  	s5 =	smov.u32 s10;
	s10 =	rddreg [dreg:$0x6]  }
0xad: {  	[spmem:s1] =	stream.indirect.scatter.add.f32 [tilespmem:s9], [sflag:$0x1], $0x1, s10, s8, $0xb8;
	[tilespmem:$0x12F8] =	vst v63  }
0xae: {  	s10 =	simm.s32 $0x180  }
0xaf: {  	[spmem:s1] =	stream.indirect.scatter.add.f32 [tilespmem:s9], [sflag:$0x1], $0x1, s10, s8, $0xb8;
	[tilespmem:$0x12F8] =	vst v63  }
0xb0: {  	_ = 	snop  }
0xb1: {  	[spmem:s1] =	stream.indirect.scatter.add.f32 [tilespmem:s9], [sflag:$0x1], $0x1, s11, s8, $0xb8;
	[tilespmem:$0x12F8] =	vst v63  }
0xb2: {  	_ = 	snop  }
0xb3: {  	[spmem:s1] =	stream.indirect.scatter.add.f32 [tilespmem:s9], [sflag:$0x1], $0x1, s12, s8, $0xb8;
	[tilespmem:$0x12F8] =	vst v63  }
0xb4: {  	_ = 	snop  }
0xb5: {  	[spmem:s1] =	stream.indirect.scatter.add.f32 [tilespmem:s9], [sflag:$0x1], $0x1, s13, s8, $0xb8;
	[tilespmem:$0x12F8] =	vst v63  }
0xb6: {  	_ = 	snop  }
0xb7: {  	[spmem:s1] =	stream.indirect.scatter.add.f32 [tilespmem:s9], [sflag:$0x1], $0x1, s14, s8, $0xb8;
	[tilespmem:$0x12F8] =	vst v63  }
0xb8: {  	_ = 	snop  }
0xb9: {  	[spmem:s1] =	stream.indirect.scatter.add.f32 [tilespmem:s9], [sflag:$0x1], $0x1, s15, s8, $0xb8;
	[tilespmem:$0x12F8] =	vst v63  }
0xba: {  	_ = 	snop  }
0xbb: {  	[spmem:s1] =	stream.indirect.scatter.add.f32 [tilespmem:s9], [sflag:$0x1], $0x1, s16, s8, $0xb8;
	[tilespmem:$0x12F8] =	vst v63  }
0xbc: {  	_ = 	snop  }
0xbd: {  	[spmem:s1] =	stream.indirect.scatter.add.f32 [tilespmem:s9], [sflag:$0x1], $0x1, s17, s8, $0xb8;
	[tilespmem:$0x12F8] =	vst v63  }
0xbe: {  	_ = 	snop  }
0xbf: {  	[spmem:s1] =	stream.indirect.scatter.add.f32 [tilespmem:s9], [sflag:$0x1], $0x1, s18, s8, $0xb8;
	[tilespmem:$0x12F8] =	vst v63  }
0xc0: {  	_ = 	snop  }
0xc1: {  	[spmem:s1] =	stream.indirect.scatter.add.f32 [tilespmem:s9], [sflag:$0x1], $0x1, s19, s8, $0xb8;
	[tilespmem:$0x12F8] =	vst v63  }
0xc2: {  	_ = 	snop  }
0xc3: {  	[spmem:s1] =	stream.indirect.scatter.add.f32 [tilespmem:s9], [sflag:$0x1], $0x1, s20, s8, $0xb8;
	[tilespmem:$0x12F8] =	vst v63  }
0xc4: {  	_ = 	snop  }
0xc5: {  	[spmem:s1] =	stream.indirect.scatter.add.f32 [tilespmem:s9], [sflag:$0x1], $0x1, s21, s8, $0xb8;
	[tilespmem:$0x12F8] =	vst v63  }
0xc6: {  	_ = 	snop  }
0xc7: {  	[spmem:s1] =	stream.indirect.scatter.add.f32 [tilespmem:s9], [sflag:$0x1], $0x1, s22, s8, $0xb8;
	[tilespmem:$0x12F8] =	vst v63  }
0xc8: {  	_ = 	snop  }
0xc9: {  	[spmem:s1] =	stream.indirect.scatter.add.f32 [tilespmem:s9], [sflag:$0x1], $0x1, s23, s8, $0xb8;
	[tilespmem:$0x12F8] =	vst v63  }
0xca: {  	_ = 	snop  }
0xcb: {  	[spmem:s1] =	stream.indirect.scatter.add.f32 [tilespmem:s9], [sflag:$0x1], $0x1, s24, s8, $0xb8;
	[tilespmem:$0x12F8] =	vst v63  }
0xcc: {  	_ = 	snop  }
0xcd: {  	[spmem:s1] =	stream.indirect.scatter.add.f32 [tilespmem:s9], [sflag:$0x1], $0x1, s25, s8, $0xb8;
	[tilespmem:$0x12F8] =	vst v63  }
0xce: {  	_ = 	snop  }
0xcf: {  	[spmem:s1] =	stream.indirect.scatter.add.f32 [tilespmem:s9], [sflag:$0x1], $0x1, s26, s8, $0xb8;
	[tilespmem:$0x12F8] =	vst v63  }
0xd0: {  	_ = 	snop  }
0xd1: {  	[spmem:s1] =	stream.indirect.scatter.add.f32 [tilespmem:s9], [sflag:$0x1], $0x1, s28, s8, $0xb8;
	[tilespmem:$0x12F8] =	vst v63  }
0xd2: {  	_ = 	snop  }
0xd3: {  	[spmem:s1] =	stream.indirect.scatter.add.f32 [tilespmem:s9], [sflag:$0x1], $0x1, s29, s8, $0xb8;
	[tilespmem:$0x12F8] =	vst v63  }
0xd4: {  	_ = 	snop  }
0xd5: {  	[spmem:s1] =	stream.indirect.scatter.add.f32 [tilespmem:s9], [sflag:$0x1], $0x1, s30, s8, $0xb8;
	[tilespmem:$0x12F8] =	vst v63  }
0xd6: {  	_ = 	snop  }
0xd7: {  	[spmem:s1] =	stream.indirect.scatter.add.f32 [tilespmem:s9], [sflag:$0x1], $0x1, s31, s8, $0xb8;
	[tilespmem:$0x12F8] =	vst v63  }
0xd8: {  	_ = 	snop  }
0xd9: {  	[spmem:s1] =	stream.indirect.scatter.add.f32 [tilespmem:s9], [sflag:$0x1], $0x1, s0, s8, $0xb8;
	[tilespmem:$0x12F8] =	vst v63  }
0xda: {  	_ =	swait.ge [sflag:s3], $0x64  }
0xdb: {  	[sflag:s3] =	ssyncset.done $0x0  }
0xdc: {  	[sflag:s3] =	ssyncadd.s32 $0xFFFFFF9C  }
0xdd: {  	_ =	swait.ge [sflag:s3], $0x64  }
0xde: {  	[sflag:s3] =	ssyncset.done $0x0  }
0xdf: {  	[sflag:s3] =	ssyncadd.s32 $0xFFFFFF9C  }
0xe0: {  	_ =	swait.ge [sflag:s3], $0x64  }
0xe1: {  	[sflag:s3] =	ssyncset.done $0x0  }
0xe2: {  	[sflag:s3] =	ssyncadd.s32 $0xFFFFFF9C  }
0xe3: {  	_ =	swait.ge [sflag:s3], $0x64  }
0xe4: {  	[sflag:s3] =	ssyncset.done $0x0  }
0xe5: {  	[sflag:s3] =	ssyncadd.s32 $0xFFFFFF9C  }
0xe6: {  	_ =	swait.ge [sflag:s3], $0x64  }
0xe7: {  	[sflag:s3] =	ssyncset.done $0x0  }
0xe8: {  	[sflag:s3] =	ssyncadd.s32 $0xFFFFFF9C  }
0xe9: {  	_ =	swait.ge [sflag:s3], $0x64  }
0xea: {  	[sflag:s3] =	ssyncset.done $0x0  }
0xeb: {  	[sflag:s3] =	ssyncadd.s32 $0xFFFFFF9C  }
0xec: {  	_ =	swait.ge [sflag:s3], $0x64  }
0xed: {  	[sflag:s3] =	ssyncset.done $0x0  }
0xee: {  	[sflag:s3] =	ssyncadd.s32 $0xFFFFFF9C  }
0xef: {  	_ =	swait.ge [sflag:s3], $0x64  }
0xf0: {  	[sflag:s3] =	ssyncset.done $0x0  }
0xf1: {  	[sflag:s3] =	ssyncadd.s32 $0xFFFFFF9C  }
0xf2: {  	_ =	swait.ge [sflag:s3], $0x64  }
0xf3: {  	[sflag:s3] =	ssyncset.done $0x0  }
0xf4: {  	[sflag:s3] =	ssyncadd.s32 $0xFFFFFF9C  }
0xf5: {  	_ =	swait.ge [sflag:s3], $0x64  }
0xf6: {  	[sflag:s3] =	ssyncset.done $0x0  }
0xf7: {  	[sflag:s3] =	ssyncadd.s32 $0xFFFFFF9C  }
0xf8: {  	_ =	swait.ge [sflag:s3], $0x64  }
0xf9: {  	[sflag:s3] =	ssyncset.done $0x0  }
0xfa: {  	[sflag:s3] =	ssyncadd.s32 $0xFFFFFF9C  }
0xfb: {  	_ =	swait.ge [sflag:s3], $0x64  }
0xfc: {  	[sflag:s3] =	ssyncset.done $0x0  }
0xfd: {  	[sflag:s3] =	ssyncadd.s32 $0xFFFFFF9C  }
0xfe: {  	_ =	swait.ge [sflag:s3], $0x64  }
0xff: {  	[sflag:s3] =	ssyncset.done $0x0  }
0x100: {  	[sflag:s3] =	ssyncadd.s32 $0xFFFFFF9C  }
0x101: {  	_ =	swait.ge [sflag:s3], $0x64  }
0x102: {  	[sflag:s3] =	ssyncset.done $0x0  }
0x103: {  	[sflag:s3] =	ssyncadd.s32 $0xFFFFFF9C  }
0x104: {  	_ =	swait.ge [sflag:s3], $0x64  }
0x105: {  	[sflag:s3] =	ssyncset.done $0x0  }
0x106: {  	[sflag:s3] =	ssyncadd.s32 $0xFFFFFF9C  }
0x107: {  	_ =	swait.ge [sflag:s3], $0x64  }
0x108: {  	[sflag:s3] =	ssyncset.done $0x0  }
0x109: {  	[sflag:s3] =	ssyncadd.s32 $0xFFFFFF9C  }
0x10a: {  	_ =	swait.ge [sflag:s3], $0x64  }
0x10b: {  	[sflag:s3] =	ssyncset.done $0x0  }
0x10c: {  	[sflag:s3] =	ssyncadd.s32 $0xFFFFFF9C  }
0x10d: {  	_ =	swait.ge [sflag:s3], $0x64  }
0x10e: {  	[sflag:s3] =	ssyncset.done $0x0  }
0x10f: {  	[sflag:s3] =	ssyncadd.s32 $0xFFFFFF9C  }
0x110: {  	_ =	swait.ge [sflag:s3], $0x64  }
0x111: {  	[sflag:s3] =	ssyncset.done $0x0  }
0x112: {  	[sflag:s3] =	ssyncadd.s32 $0xFFFFFF9C  }
0x113: {  	_ =	swait.ge [sflag:s3], $0x64  }
0x114: {  	[sflag:s3] =	ssyncset.done $0x0  }
0x115: {  	[sflag:s3] =	ssyncadd.s32 $0xFFFFFF9C  }
0x116: {  	_ =	swait.ge [sflag:s3], $0x64  }
0x117: {  	[sflag:s3] =	ssyncset.done $0x0  }
0x118: {  	[sflag:s3] =	ssyncadd.s32 $0xFFFFFF9C  }
0x119: {  	_ =	swait.ge [sflag:s3], $0x64  }
0x11a: {  	[sflag:s3] =	ssyncset.done $0x0  }
0x11b: {  	[sflag:s3] =	ssyncadd.s32 $0xFFFFFF9C  }
0x11c: {  	_ =	swait.ge [sflag:s3], $0x64  }
0x11d: {  	[sflag:s3] =	ssyncset.done $0x0  }
0x11e: {  	p1 =	sne.s32 s6, $0x600;
	[sflag:s3] =	ssyncadd.s32 $0xFFFFFF9C  }
.Ltmp0:
0x11f: {  	_ =	swait.ge [sflag:s3], $0x64;
	(pc) =	sbr.rel @p1 .LBB2_2-.Ltmp0, $4  }
0x120: {  	[sflag:s3] =	ssyncset.done $0x0  }
0x121: {  	[sflag:s3] =	ssyncadd.s32 $0xFFFFFF9C  }
0x122: {  	_ =	swait.ge [sflag:s3], $0x64  }
0x123: {  	s6 =	sadd.s32 $0x200, s6;
	s4 =	rddreg [dreg:$0x4];
	[sflag:s3] =	ssyncset.done $0x0  }
0x124: {  	[sflag:s3] =	ssyncadd.s32 $0xFFFFFF9C;
	s4 =	sadd.s32 s5, s4  }
0x125: {  	[tilespmem:s2], [sflag:$0x2] =	stream.linear.gather [hbm4b:s4+s2], $0xC80, $0x38;
	[tilespmem:$0x12F8] =	vst v63  }
0x126: {  	_ =	swait.ge [sflag:s7], $0xC80  }
0x127: {  	[sflag:s7] =	ssyncset.done $0x0  }
0x128: {  	[sflag:s7] =	ssyncadd.s32 $0xFFFFF380  }
0x129: {  	[spmem:s1] =	stream.indirect.scatter.add.f32 [tilespmem:s9], [sflag:$0x1], $0x1, s2, s8, $0xb8;
	[tilespmem:$0x12F8] =	vst v63  }
0x12a: {  	s5 =	rddreg [dreg:$0x5]  }
0x12b: {  	[spmem:s1] =	stream.indirect.scatter.add.f32 [tilespmem:s9], [sflag:$0x1], $0x1, s5, s8, $0xb8;
	[tilespmem:$0x12F8] =	vst v63  }
0x12c: {  	s6 =	rddreg [dreg:$0x6]  }
0x12d: {  	[spmem:s1] =	stream.indirect.scatter.add.f32 [tilespmem:s9], [sflag:$0x1], $0x1, s6, s8, $0xb8;
	[tilespmem:$0x12F8] =	vst v63  }
0x12e: {  	s10 =	simm.s32 $0x180  }
0x12f: {  	[spmem:s1] =	stream.indirect.scatter.add.f32 [tilespmem:s9], [sflag:$0x1], $0x1, s10, s8, $0xb8;
	[tilespmem:$0x12F8] =	vst v63  }
0x130: {  	_ = 	snop  }
0x131: {  	[spmem:s1] =	stream.indirect.scatter.add.f32 [tilespmem:s9], [sflag:$0x1], $0x1, s11, s8, $0xb8;
	[tilespmem:$0x12F8] =	vst v63  }
0x132: {  	_ = 	snop  }
0x133: {  	[spmem:s1] =	stream.indirect.scatter.add.f32 [tilespmem:s9], [sflag:$0x1], $0x1, s12, s8, $0xb8;
	[tilespmem:$0x12F8] =	vst v63  }
0x134: {  	_ = 	snop  }
0x135: {  	[spmem:s1] =	stream.indirect.scatter.add.f32 [tilespmem:s9], [sflag:$0x1], $0x1, s13, s8, $0xb8;
	[tilespmem:$0x12F8] =	vst v63  }
0x136: {  	_ = 	snop  }
0x137: {  	[spmem:s1] =	stream.indirect.scatter.add.f32 [tilespmem:s9], [sflag:$0x1], $0x1, s14, s8, $0xb8;
	[tilespmem:$0x12F8] =	vst v63  }
0x138: {  	_ = 	snop  }
0x139: {  	[spmem:s1] =	stream.indirect.scatter.add.f32 [tilespmem:s9], [sflag:$0x1], $0x1, s15, s8, $0xb8;
	[tilespmem:$0x12F8] =	vst v63  }
0x13a: {  	_ = 	snop  }
0x13b: {  	[spmem:s1] =	stream.indirect.scatter.add.f32 [tilespmem:s9], [sflag:$0x1], $0x1, s16, s8, $0xb8;
	[tilespmem:$0x12F8] =	vst v63  }
0x13c: {  	_ = 	snop  }
0x13d: {  	[spmem:s1] =	stream.indirect.scatter.add.f32 [tilespmem:s9], [sflag:$0x1], $0x1, s17, s8, $0xb8;
	[tilespmem:$0x12F8] =	vst v63  }
0x13e: {  	_ = 	snop  }
0x13f: {  	[spmem:s1] =	stream.indirect.scatter.add.f32 [tilespmem:s9], [sflag:$0x1], $0x1, s18, s8, $0xb8;
	[tilespmem:$0x12F8] =	vst v63  }
0x140: {  	_ = 	snop  }
0x141: {  	[spmem:s1] =	stream.indirect.scatter.add.f32 [tilespmem:s9], [sflag:$0x1], $0x1, s19, s8, $0xb8;
	[tilespmem:$0x12F8] =	vst v63  }
0x142: {  	_ = 	snop  }
0x143: {  	[spmem:s1] =	stream.indirect.scatter.add.f32 [tilespmem:s9], [sflag:$0x1], $0x1, s20, s8, $0xb8;
	[tilespmem:$0x12F8] =	vst v63  }
0x144: {  	_ = 	snop  }
0x145: {  	[spmem:s1] =	stream.indirect.scatter.add.f32 [tilespmem:s9], [sflag:$0x1], $0x1, s21, s8, $0xb8;
	[tilespmem:$0x12F8] =	vst v63  }
0x146: {  	_ = 	snop  }
0x147: {  	[spmem:s1] =	stream.indirect.scatter.add.f32 [tilespmem:s9], [sflag:$0x1], $0x1, s22, s8, $0xb8;
	[tilespmem:$0x12F8] =	vst v63  }
0x148: {  	_ = 	snop  }
0x149: {  	[spmem:s1] =	stream.indirect.scatter.add.f32 [tilespmem:s9], [sflag:$0x1], $0x1, s23, s8, $0xb8;
	[tilespmem:$0x12F8] =	vst v63  }
0x14a: {  	_ = 	snop  }
0x14b: {  	[spmem:s1] =	stream.indirect.scatter.add.f32 [tilespmem:s9], [sflag:$0x1], $0x1, s24, s8, $0xb8;
	[tilespmem:$0x12F8] =	vst v63  }
0x14c: {  	_ = 	snop  }
0x14d: {  	[spmem:s1] =	stream.indirect.scatter.add.f32 [tilespmem:s9], [sflag:$0x1], $0x1, s25, s8, $0xb8;
	[tilespmem:$0x12F8] =	vst v63  }
0x14e: {  	_ = 	snop  }
0x14f: {  	[spmem:s1] =	stream.indirect.scatter.add.f32 [tilespmem:s9], [sflag:$0x1], $0x1, s26, s8, $0xb8;
	[tilespmem:$0x12F8] =	vst v63  }
0x150: {  	_ = 	snop  }
0x151: {  	[spmem:s1] =	stream.indirect.scatter.add.f32 [tilespmem:s9], [sflag:$0x1], $0x1, s28, s8, $0xb8;
	[tilespmem:$0x12F8] =	vst v63  }
0x152: {  	_ = 	snop  }
0x153: {  	[spmem:s1] =	stream.indirect.scatter.add.f32 [tilespmem:s9], [sflag:$0x1], $0x1, s29, s8, $0xb8;
	[tilespmem:$0x12F8] =	vst v63  }
0x154: {  	_ = 	snop  }
0x155: {  	[spmem:s1] =	stream.indirect.scatter.add.f32 [tilespmem:s9], [sflag:$0x1], $0x1, s30, s8, $0xb8;
	[tilespmem:$0x12F8] =	vst v63  }
0x156: {  	_ = 	snop  }
0x157: {  	[spmem:s1] =	stream.indirect.scatter.add.f32 [tilespmem:s9], [sflag:$0x1], $0x1, s31, s8, $0xb8;
	[tilespmem:$0x12F8] =	vst v63  }
0x158: {  	_ = 	snop  }
0x159: {  	[spmem:s1] =	stream.indirect.scatter.add.f32 [tilespmem:s9], [sflag:$0x1], $0x1, s0, s8, $0xb8;
	[tilespmem:$0x12F8] =	vst v63  }
0x15a: {  	_ =	swait.ge [sflag:s3], $0x64  }
0x15b: {  	[sflag:s3] =	ssyncset.done $0x0  }
0x15c: {  	[sflag:s3] =	ssyncadd.s32 $0xFFFFFF9C  }
0x15d: {  	_ =	swait.ge [sflag:s3], $0x64  }
0x15e: {  	[sflag:s3] =	ssyncset.done $0x0  }
0x15f: {  	[sflag:s3] =	ssyncadd.s32 $0xFFFFFF9C  }
0x160: {  	_ =	swait.ge [sflag:s3], $0x64  }
0x161: {  	[sflag:s3] =	ssyncset.done $0x0  }
0x162: {  	[sflag:s3] =	ssyncadd.s32 $0xFFFFFF9C  }
0x163: {  	_ =	swait.ge [sflag:s3], $0x64  }
0x164: {  	[sflag:s3] =	ssyncset.done $0x0  }
0x165: {  	[sflag:s3] =	ssyncadd.s32 $0xFFFFFF9C  }
0x166: {  	_ =	swait.ge [sflag:s3], $0x64  }
0x167: {  	[sflag:s3] =	ssyncset.done $0x0  }
0x168: {  	[sflag:s3] =	ssyncadd.s32 $0xFFFFFF9C  }
0x169: {  	_ =	swait.ge [sflag:s3], $0x64  }
0x16a: {  	[sflag:s3] =	ssyncset.done $0x0  }
0x16b: {  	[sflag:s3] =	ssyncadd.s32 $0xFFFFFF9C  }
0x16c: {  	_ =	swait.ge [sflag:s3], $0x64  }
0x16d: {  	[sflag:s3] =	ssyncset.done $0x0  }
0x16e: {  	[sflag:s3] =	ssyncadd.s32 $0xFFFFFF9C  }
0x16f: {  	_ =	swait.ge [sflag:s3], $0x64  }
0x170: {  	[sflag:s3] =	ssyncset.done $0x0  }
0x171: {  	[sflag:s3] =	ssyncadd.s32 $0xFFFFFF9C  }
0x172: {  	_ =	swait.ge [sflag:s3], $0x64  }
0x173: {  	[sflag:s3] =	ssyncset.done $0x0  }
0x174: {  	[sflag:s3] =	ssyncadd.s32 $0xFFFFFF9C  }
0x175: {  	_ =	swait.ge [sflag:s3], $0x64  }
0x176: {  	[sflag:s3] =	ssyncset.done $0x0  }
0x177: {  	[sflag:s3] =	ssyncadd.s32 $0xFFFFFF9C  }
0x178: {  	_ =	swait.ge [sflag:s3], $0x64  }
0x179: {  	[sflag:s3] =	ssyncset.done $0x0  }
0x17a: {  	[sflag:s3] =	ssyncadd.s32 $0xFFFFFF9C  }
0x17b: {  	_ =	swait.ge [sflag:s3], $0x64  }
0x17c: {  	[sflag:s3] =	ssyncset.done $0x0  }
0x17d: {  	[sflag:s3] =	ssyncadd.s32 $0xFFFFFF9C  }
0x17e: {  	_ =	swait.ge [sflag:s3], $0x64  }
0x17f: {  	[sflag:s3] =	ssyncset.done $0x0  }
0x180: {  	[sflag:s3] =	ssyncadd.s32 $0xFFFFFF9C  }
0x181: {  	_ =	swait.ge [sflag:s3], $0x64  }
0x182: {  	[sflag:s3] =	ssyncset.done $0x0  }
0x183: {  	[sflag:s3] =	ssyncadd.s32 $0xFFFFFF9C  }
0x184: {  	_ =	swait.ge [sflag:s3], $0x64  }
0x185: {  	[sflag:s3] =	ssyncset.done $0x0  }
0x186: {  	[sflag:s3] =	ssyncadd.s32 $0xFFFFFF9C  }
0x187: {  	_ =	swait.ge [sflag:s3], $0x64  }
0x188: {  	[sflag:s3] =	ssyncset.done $0x0  }
0x189: {  	[sflag:s3] =	ssyncadd.s32 $0xFFFFFF9C  }
0x18a: {  	_ =	swait.ge [sflag:s3], $0x64  }
0x18b: {  	[sflag:s3] =	ssyncset.done $0x0  }
0x18c: {  	[sflag:s3] =	ssyncadd.s32 $0xFFFFFF9C  }
0x18d: {  	_ =	swait.ge [sflag:s3], $0x64  }
0x18e: {  	[sflag:s3] =	ssyncset.done $0x0  }
0x18f: {  	[sflag:s3] =	ssyncadd.s32 $0xFFFFFF9C  }
0x190: {  	_ =	swait.ge [sflag:s3], $0x64  }
0x191: {  	[sflag:s3] =	ssyncset.done $0x0  }
0x192: {  	[sflag:s3] =	ssyncadd.s32 $0xFFFFFF9C  }
0x193: {  	_ =	swait.ge [sflag:s3], $0x64  }
0x194: {  	[sflag:s3] =	ssyncset.done $0x0  }
0x195: {  	[sflag:s3] =	ssyncadd.s32 $0xFFFFFF9C  }
0x196: {  	_ =	swait.ge [sflag:s3], $0x64  }
0x197: {  	[sflag:s3] =	ssyncset.done $0x0  }
0x198: {  	[sflag:s3] =	ssyncadd.s32 $0xFFFFFF9C  }
0x199: {  	_ =	swait.ge [sflag:s3], $0x64  }
0x19a: {  	[sflag:s3] =	ssyncset.done $0x0  }
0x19b: {  	[sflag:s3] =	ssyncadd.s32 $0xFFFFFF9C  }
0x19c: {  	_ =	swait.ge [sflag:s3], $0x64  }
0x19d: {  	[sflag:s3] =	ssyncset.done $0x0  }
0x19e: {  	[sflag:s3] =	ssyncadd.s32 $0xFFFFFF9C  }
0x19f: {  	_ =	swait.ge [sflag:s3], $0x64  }
0x1a0: {  	[sflag:s3] =	ssyncset.done $0x0  }
0x1a1: {  	[sflag:s3] =	ssyncadd.s32 $0xFFFFFF9C  }
0x1a2: {  	_ =	swait.ge [sflag:s3], $0x64  }
0x1a3: {  	[sflag:s3] =	ssyncset.done $0x0  }
0x1a4: {  	[sflag:s3] =	ssyncadd.s32 $0xFFFFFF9C  }
0x1a5: {  	[bflag:$0x0] =	sbarrier.arrive $0xFFFF  }
0x1a6: {  	s5 =	simm.s32 @!p0 $0x1;
	s6 =	simm.s32 @!p0 $0x20;
	s4 =	rddreg [dreg:$0x8]  }
0x1a7: {  	s10 =	simm.s32 @!p0 $0x1C02;
	s11 =	simm.s32 @!p0 $0x10;
	s12 =	rddreg [dreg:$0xa]  }
0x1a8: {  	[hbm:s4@s6], [sflag:s10] =	dma.strided @!p0 [spmem:s12@s11], $0x4F0, s5, $0x10   }
0x1a9: {  	s4 =	simm.s32 @!p0 $0x2  }
0x1aa: {  	s6 =	rddreg [dreg:$0xa];
	_ =	swait.ge @!p0 [sflag:s4], $0x4F0  }
0x1ab: {  	s5 =	rddreg [dreg:$0xb]  }
0x1ac: {  	s10 =	sadd.s32 $0x1, s5;
	s5 =	rddreg [dreg:$0x9]  }
0x1ad: {  	p1 =	sne.s32 s10, s5  }
.Ltmp1:
0x1ae: {  	_ = 	snop;
	(pc) =	sbr.rel @p1 .LBB2_1-.Ltmp1, $3  }
0x1af: {  	_ =	sdelay $0x1  }
0x1b0: {  	[sflag:s4] =	ssyncset.done @!p0 $0x0  }
0x1b1: {  	s12 =	simm.s32 $0x280;
	s11 =	simm.s32 $0x200;
	[sflag:s4] =	ssyncadd.s32 @!p0 $0xFFFFFB10  }
0x1b2: {  	_ =	sfence.sel $0x180000  }
0x1b3: {  	[bflag:$0x0] =	sbarrier.arrive $0xFFFF  }
0x1b4: {  	_ =	strace $0x90000047  }
0x1b5: {  	[bflag:$0x2] =	sbarrier.arrive $0xFFFF  }
0x1b6: {  	s0 =	rddreg [dreg:$0x3]  }
0x1b7: {  	s0 =	sadd.s32 @!p0 $0x100000, s0  }
0x1b8: {  	[sflag:s0] =	ssyncadd.tile.s32 @!p0 $0x1;
	_ =	shalt  }
.Lfunc_end2:
_tile_overlayer_lowered:
.L_overlay_start_2:
0x1b9: {  	(tag) =	ssettag $0x2  }
0x1ba: {  	s0 =	rddreg [dreg:$0x0];
	s2 =	stileid.u32  }
0x1bb: {  	s1 =	rddreg [dreg:$0x1];
	p0 =	sne.s32 s2, $0x0  }
0x1bc: {  	s3 =	rddreg [dreg:$0x2];
	[bflag:$0x3] =	sbarrier.arrive $0xFFFF;
	s2 =	simm.s32 @!p0 $0x1C02  }
0x1bd: {  	[timem:s3], [sflag:s2] =	dma.local @!p0 [hbm:s0], s1  }
0x1be: {  	s0 =	simm.s32 @!p0 $0x2  }
0x1bf: {  	_ =	swait.ge @!p0 [sflag:s0], s1  }
0x1c0: {  	s1 =	ssub.s32 @!p0 $0x0, s1;
	[sflag:s0] =	ssyncset.done @!p0 $0x0  }
0x1c1: {  	[sflag:s0] =	ssyncadd.s32 @!p0 s1  }
0x1c2: {  	[bflag:$0x3] =	sbarrier.arrive $0xFFFF  }
0x1c3: {  	_ =	shalt  }

// kernel: kernel.9.cloned.1.call-start
scs
__scs_entry_jumppad:
0x0: {  	(pc) =	sbr.rel $0x88, $3  }
0x1: {  	(tag) =	ssettag $0x0;
	lr =	simm.s32 $0x1  }
0x2: {  	[smem:$0x3F9F] =	sst lr;
	_ =	strace $0xD0000000  }
0x3: {  	_ = 	snop  }
0x4: {  	_ = 	snop  }
0x5: {  	_ = 	snop  }
0x6: {  	_ = 	snop  }
0x7: {  	_ = 	snop  }
__scs_overlays_trampoline_lowered:
0x8: {  	[smem:$0x3FAE] =	sst s0  }
0x9: {  	[smem:$0x3FAF] =	sst s1  }
0xa: {  	[smem:$0x3FB0] =	sst s2  }
0xb: {  	[smem:$0x3FB1] =	sst s3  }
0xc: {  	[smem:$0x3FB2] =	sst s4  }
0xd: {  	[smem:$0x3FB3] =	sst s5  }
0xe: {  	[smem:$0x3FB4] =	sst s6  }
0xf: {  	[smem:$0x3FB5] =	sst s7  }
0x10: {  	[smem:$0x3FB6] =	sst s8  }
0x11: {  	[smem:$0x3FB7] =	sst s9;
	s0 =	simm.s32 @!p0 $0x0  }
0x12: {  	s1 =	sld [smem:$0x3F9D];
	s0 =	simm.s32 @p0 $0x1  }
0x13: {  	[smem:$0x3FB8] =	sst s0;
	s0 =	simm.s32 @!p1 $0x0  }
0x14: {  	s2 =	sld [smem:$0x3F9C];
	s0 =	simm.s32 @p1 $0x1  }
0x15: {  	[smem:$0x3FB9] =	sst s0;
	s0 =	simm.s32 @!p2 $0x0  }
0x16: {  	s3 =	sld [smem:$0x3FDB];
	s0 =	simm.s32 @p2 $0x1  }
0x17: {  	s4 =	simm.s32 $0x1BF5;
	[smem:$0x3FBB] =	sst s0  }
0x18: {  	s0 =	sld [smem:$0x3F9E];
	_ =	swait.ge [sflag:s4], $0x0  }
0x19: {  	s7 =	sld [smem:$0x3F9F]  }
0x1a: {  	s8 =	sadd.s32 $0xFFFFE003, lr  }
0x1b: {  	s9 =	sadd.s32 $0xFFFFFEF7, lr;
	s5 =	simm.s32 $0xFFFFFFFF;
	p2 =	slt.u32 s8, $0xFFFFF086  }
0x1c: {  	p1 =	slt.u32 s9, $0xF7A;
	s5 =	simm.s32 @!p2 $0x0  }
0x1d: {  	s5 =	simm.s32 @p1 $0x1;
	p0 =	seq.s32 s7, s2  }
0x1e: {  	s7 =	smul.u32 @!p0 $0xF7A, s2;
	p2 =	seq.s32 @!p0 s5, $0x0  }
0x1f: {  	s9 =	smul.u32 $0xF7A, s1;
	s8 =	simm.s32 @!p0 $0x1BF5;
	p2 =	por !p2, p0  }
0x20: {  	[sflag:s8] =	ssyncset.s32 @!p0 $0xFFFFF086;
	s6 =	sadd.s32 @!p0 s3, s7;
	s7 =	simm.s32 @!p0 $0x108  }
0x21: {  	s3 =	sadd.s32 s3, s9;
	s6 =	sadd.s32 @!p0 $0x88, s6;
	s7 =	simm.s32 @p2 $0x1082  }
0x22: {  	[simem:s7], [sflag:s8] =	dma.local @!p0 [hbm:s6], $0xF7A  }
0x23: {  	s9 =	sor.u32 $0xD0000000, s2;
	s6 =	simm.s32 $0x108;
	_ =	swait.ge @!p0 [sflag:s8], $0x0  }
0x24: {  	s3 =	sadd.s32 $0x88, s3;
	s6 =	simm.s32 @!p1 $0x1082;
	[sflag:s4] =	ssyncset.s32 $0xFFFFF086  }
0x25: {  	[simem:s6], [sflag:s4] =	dma.local [hbm:s3], $0xF7A  }
0x26: {  	[smem:$0x3F9F] =	sst s1;
	(tag) =	ssettag s2;
	_ =	strace s9  }
0x27: {  	s1 =	sld [smem:$0x3FAF]  }
0x28: {  	s2 =	sld [smem:$0x3FB0]  }
0x29: {  	s4 =	sld [smem:$0x3FB2]  }
0x2a: {  	p0 =	seq.s32 s5, $0x0;
	s5 =	sld [smem:$0x3FB3]  }
0x2b: {  	s6 =	sld [smem:$0x3FB4]  }
0x2c: {  	s7 =	sld [smem:$0x3FB5]  }
0x2d: {  	s3 =	simm.s32 $0x108;
	s8 =	sld [smem:$0x3FB6]  }
0x2e: {  	s3 =	simm.s32 @!p0 $0x1082;
	s9 =	sld [smem:$0x3FB7]  }
0x2f: {  	lr =	sadd.s32 s0, s3;
	s0 =	sld [smem:$0x3FAE]  }
0x30: {  	s3 =	sld [smem:$0x3FB1]  }
0x31: {  	[smem:$0x3FBA] =	sst s10  }
0x32: {  	s10 =	sld [smem:$0x3FB8];
	_ =	sdelay $0x3  }
0x33: {  	p0 =	seq.s32 s10, $0x1;
	s10 =	sld [smem:$0x3FBA];
	_ =	sdelay $0x3  }
0x34: {  	[smem:$0x3FBA] =	sst s10  }
0x35: {  	s10 =	sld [smem:$0x3FB9];
	_ =	sdelay $0x3  }
0x36: {  	p1 =	seq.s32 s10, $0x1;
	s10 =	sld [smem:$0x3FBA];
	_ =	sdelay $0x3  }
0x37: {  	[smem:$0x3FBA] =	sst s10  }
0x38: {  	s10 =	sld [smem:$0x3FBB]  }
0x39: {  	_ = 	snop;
	(pc) =	sbr.ind lr, $3  }
0x3a: {  	_ = 	snop  }
0x3b: {  	_ = 	snop  }
0x3c: {  	p2 =	seq.s32 s10, $0x1;
	s10 =	sld [smem:$0x3FBA]  }
0x3d: {  	_ =	shalt  }
0x3e: {  	_ =	shalt  }
0x3f: {  	_ =	shalt  }
0x40: {  	_ =	shalt  }
0x41: {  	_ =	shalt  }
0x42: {  	_ =	shalt  }
0x43: {  	_ =	shalt  }
0x44: {  	_ =	shalt  }
0x45: {  	_ =	shalt  }
0x46: {  	_ =	shalt  }
0x47: {  	_ =	shalt  }
0x48: {  	_ =	shalt  }
0x49: {  	_ =	shalt  }
0x4a: {  	_ =	shalt  }
0x4b: {  	_ =	shalt  }
0x4c: {  	_ =	shalt  }
0x4d: {  	_ =	shalt  }
0x4e: {  	_ =	shalt  }
0x4f: {  	_ =	shalt  }
0x50: {  	_ =	shalt  }
0x51: {  	_ =	shalt  }
0x52: {  	_ =	shalt  }
0x53: {  	_ =	shalt  }
0x54: {  	_ =	shalt  }
0x55: {  	_ =	shalt  }
0x56: {  	_ =	shalt  }
0x57: {  	_ =	shalt  }
0x58: {  	_ =	shalt  }
0x59: {  	_ =	shalt  }
0x5a: {  	_ =	shalt  }
0x5b: {  	_ =	shalt  }
0x5c: {  	_ =	shalt  }
0x5d: {  	_ =	shalt  }
0x5e: {  	_ =	shalt  }
0x5f: {  	_ =	shalt  }
0x60: {  	_ =	shalt  }
0x61: {  	_ =	shalt  }
0x62: {  	_ =	shalt  }
0x63: {  	_ =	shalt  }
0x64: {  	_ =	shalt  }
0x65: {  	_ =	shalt  }
0x66: {  	_ =	shalt  }
0x67: {  	_ =	shalt  }
0x68: {  	_ =	shalt  }
0x69: {  	_ =	shalt  }
0x6a: {  	_ =	shalt  }
0x6b: {  	_ =	shalt  }
0x6c: {  	_ =	shalt  }
0x6d: {  	_ =	shalt  }
0x6e: {  	_ =	shalt  }
0x6f: {  	_ =	shalt  }
0x70: {  	_ =	shalt  }
0x71: {  	_ =	shalt  }
0x72: {  	_ =	shalt  }
0x73: {  	_ =	shalt  }
0x74: {  	_ =	shalt  }
0x75: {  	_ =	shalt  }
0x76: {  	_ =	shalt  }
0x77: {  	_ =	shalt  }
0x78: {  	_ =	shalt  }
0x79: {  	_ =	shalt  }
0x7a: {  	_ =	shalt  }
0x7b: {  	_ =	shalt  }
0x7c: {  	_ =	shalt  }
0x7d: {  	_ =	shalt  }
0x7e: {  	_ =	shalt  }
0x7f: {  	_ =	shalt  }
0x80: {  	_ =	shalt  }
0x81: {  	_ =	shalt  }
0x82: {  	_ =	shalt  }
0x83: {  	_ =	shalt  }
0x84: {  	_ =	shalt  }
0x85: {  	_ =	shalt  }
0x86: {  	_ =	shalt  }
0x87: {  	_ =	shalt  }
.Lfunc_end0:
.L_simem_size_0:
called_computation.1_lowered:
.L_overlay_start_0:
0x88: {  	s2 =	sld [smem:$0x3FD9]  }
0x89: {  	s3 =	sld [smem:$0x3FFE];
	_ =	sdelay $0x1  }
0x8a: {  	s1 =	srdreg.scid  }
0x8b: {  	s0 =	sand.u32 $0x1, s1  }
0x8c: {  	s17 =	sshll.u32 s0, $0xA;
	s2 =	sadd.s32 s3, s2  }
0x8d: {  	s2 =	sadd.s32 s2, s17  }
0x8e: {  	[smem:$0x3FC6] =	sst s2  }
0x8f: {  	_ = 	snop  }
0x90: {  	s2 =	sld [smem:$0x3FD0];
	(tm) =	ssettm $0x1  }
0x91: {  	s18 =	sld [smem:$0x3FFB];
	_ =	sdelay $0x3  }
0x92: {  	_ =	strace s18  }
0x93: {  	s3 =	sld [smem:$0x3FFC];
	_ =	sdelay $0x3  }
0x94: {  	_ =	strace s3  }
0x95: {  	s3 =	sld [smem:$0x3FFD];
	_ =	sdelay $0x3  }
0x96: {  	_ =	strace s3  }
0x97: {  	_ =	strace $0x8FFFFFFF  }
0x98: {  	s19 =	sld [smem:$0x3FDB];
	_ =	sdelay $0x1  }
0x99: {  	s4 =	simm.s32 $_scs_section_size  }
0x9a: {  	s5 =	simm.s32 $_size__tile_overlayer_lowered;
	s6 =	simm.s32 $_tile_overlayer_lowered  }
0x9b: {  	s22 =	simm.s32 $0x1BFF;
	s21 =	sshll.u32 s6, $0x1;
	s3 =	sadd.s32 s4, s19  }
0x9c: {  	s7 =	simm.s32 $0x0;
	s20 =	sshll.u32 s5, $0x1;
	s5 =	sadd.s32 s21, s3  }
0x9d: {  	[timem:s7], [sflag:s22] =	dma.local [hbm:s5], s20  }
0x9e: {  	_ =	swait.ge [sflag:s22], s20  }
0x9f: {  	s4 =	ssub.s32 $0x0, s20;
	[sflag:s22] =	ssyncset.done $0x0  }
0xa0: {  	[sflag:s22] =	ssyncadd.s32 s4;
	_ =	sdelay $0x1  }
0xa1: {  	s23 =	simm.s32 $0x1B8B  }
0xa2: {  	_ =	swait.ge [sflag:s23], $0x1  }
0xa3: {  	[sflag:s23] =	ssyncset.done $0x0  }
0xa4: {  	s25 =	simm.s32 $0x1B8E;
	s24 =	sld [smem:$0x3FFE];
	[sflag:s23] =	ssyncadd.s32 $0xFFFFFFFF  }
0xa5: {  	s26 =	simm.s32 $execute0_lowered;
	[smem:$0x3FD2] =	sst s25  }
0xa6: {  	s5 =	sshll.u32 s26, $0x1;
	_ =	strace $0x80000049;
	[dreg:$0x1] =	wrdreg $0xFFFFFFFF  }
0xa7: {  	s28 =	simm.s32 $_size_execute0_lowered;
	s3 =	sadd.s32 s3, s5;
	[dreg:$0x0] =	wrdreg $0x0  }
0xa8: {  	s5 =	sshll.u32 s28, $0x1;
	[dreg:$0x2] =	wrdreg s3  }
0xa9: {  	[dreg:$0x3] =	wrdreg s5  }
0xaa: {  	[dreg:$0x4] =	wrdreg $0xC0  }
0xab: {  	_ =	task [dreg:s7], $0x5FFFF  }
0xac: {  	[dreg:$0x1] =	wrdreg $0xFFFFFFFF  }
0xad: {  	[dreg:$0x0] =	wrdreg $0x60  }
0xae: {  	[dreg:$0x2] =	wrdreg s2  }
0xaf: {  	[dreg:$0x3] =	wrdreg s24  }
0xb0: {  	[dreg:$0x4] =	wrdreg $0xBC000  }
0xb1: {  	[dreg:$0x5] =	wrdreg $0x9  }
0xb2: {  	_ =	task.clear_ibuf [dreg:s7], $0x6FFFF;
	_ =	strace $0x90000049  }
0xb3: {  	s29 =	simm.s32 $0x9;
	_ =	strace $0x8000004B  }
0xb4: {  	_ =	swait.ge [sflag:s29], $0x1  }
0xb5: {  	[sflag:s29] =	ssyncadd.s32 $0xFFFFFFFF  }
0xb6: {  	_ =	strace $0x9000004B  }
0xb7: {  	_ =	sfence  }
0xb8: {  	s30 =	sld [smem:$0x0];
	_ =	sdelay $0x2  }
0xb9: {  	s31 =	sshll.u32 s1, $0xD;
	s1 =	sshrl.u32 s1, $0x2  }
0xba: {  	s3 =	sand.u32 $0x4000, s31;
	s1 =	sadd.s32 s1, s30  }
0xbb: {  	s0 =	sor.u32 s3, s0;
	s1 =	sshll.u32 s1, $0x11  }
0xbc: {  	s0 =	sor.u32 s1, s0  }
0xbd: {  	s0 =	sadd.s32 $0x8F2B, s0  }
0xbe: {  	[sflag:s0] =	ssyncadd.remote.s32 $0x1  }
0xbf: {  	_ =	sfence.sel $0xFFFF  }
0xc0: {  	[dreg:$0x0] =	wrdreg $0xFFFFFFFF;
	(pc) =	sbr.abs _section_cstart, $3  }
0xc1: {  	[dreg:$0x1] =	wrdreg $0xFFFFFFFF  }
0xc2: {  	_ =	task.clear_ibuf [dreg:s7], $0x2FFFF;
	_ =	strace $0x9FFFFFFF  }
0xc3: {  	(tm) =	ssettm $0x7FFFFFFF  }
tec
execute0_lowered:
.L_overlay_start_1:
0x0: {  	(tag) =	ssettag $0x1  }
0x1: {  	s2 =	rddreg [dreg:$0x0]  }
0x2: {  	s0 =	rddreg [dreg:$0x1]  }
0x3: {  	s3 =	rddreg [dreg:$0x2];
	s4 =	simm.s32 $0x0  }
0x4: {  	s9 =	simm.s32 $0x80;
	[smem:$0x7FF] =	sst s4  }
0x5: {  	s10 =	simm.s32 $0x100;
	_ =	strace $0x8000004A;
	[dreg:$0x6] =	wrdreg s9  }
0x6: {  	s12 =	simm.s32 $0x180;
	[dreg:$0x7] =	wrdreg s10  }
0x7: {  	s13 =	simm.s32 $0x1080;
	[dreg:$0x8] =	wrdreg s12  }
0x8: {  	s14 =	simm.s32 $0x200;
	[dreg:$0x9] =	wrdreg s13  }
0x9: {  	s15 =	simm.s32 $0x1100;
	[dreg:$0xa] =	wrdreg s14  }
0xa: {  	s11 =	stileid.u32;
	s17 =	simm.s32 $0x280;
	[dreg:$0xb] =	wrdreg s15  }
0xb: {  	s1 =	srdreg.scid;
	s18 =	simm.s32 $0x1180;
	[dreg:$0xc] =	wrdreg s17  }
0xc: {  	s19 =	simm.s32 $0x300;
	s20 =	simm.s32 $0x1200;
	[dreg:$0xd] =	wrdreg s18  }
0xd: {  	s21 =	simm.s32 $0x380;
	s23 =	simm.s32 $0x1280;
	[dreg:$0xe] =	wrdreg s19  }
0xe: {  	s24 =	simm.s32 $0x400;
	s26 =	simm.s32 $0x1300;
	[dreg:$0xf] =	wrdreg s20  }
0xf: {  	s28 =	simm.s32 $0xA80;
	s29 =	simm.s32 $0x1980;
	[dreg:$0x10] =	wrdreg s21  }
0x10: {  	s30 =	simm.s32 $0xB00;
	s31 =	simm.s32 $0x1A00;
	[dreg:$0x11] =	wrdreg s23  }
0x11: {  	s5 =	sshll.u32 s11, $0xC;
	s1 =	sand.u32 $0x1, s1;
	[dreg:$0x12] =	wrdreg s24  }
0x12: {  	s8 =	smul.u32 $0x2780, s11;
	[dreg:$0x13] =	wrdreg s26;
	s12 =	simm.s32 $0x1380  }
0x13: {  	s22 =	smul.u32 $0x13C00, s11;
	s13 =	simm.s32 $0x500;
	[dreg:$0x15] =	wrdreg s12  }
0x14: {  	p0 =	seq.s32 s11, $0xF;
	s14 =	simm.s32 $0x1400;
	[dreg:$0x16] =	wrdreg s13  }
0x15: {  	s5 =	sadd.s32 s5, s0;
	s15 =	simm.s32 $0x580;
	[dreg:$0x17] =	wrdreg s14  }
0x16: {  	s6 =	sshll.u32 s1, $0xB;
	s17 =	simm.s32 $0x1480;
	[dreg:$0x18] =	wrdreg s15  }
0x17: {  	s10 =	smul.u32 $0x4F000, s11;
	s18 =	simm.s32 $0x600;
	[dreg:$0x19] =	wrdreg s17  }
0x18: {  	s19 =	simm.s32 $0x1500;
	s20 =	simm.s32 $0x680;
	[dreg:$0x1a] =	wrdreg s18  }
0x19: {  	s21 =	simm.s32 $0x1580;
	s23 =	simm.s32 $0x1600;
	[dreg:$0x1b] =	wrdreg s19  }
0x1a: {  	s24 =	simm.s32 $0x780;
	s26 =	simm.s32 $0x800;
	[dreg:$0x1c] =	wrdreg s20  }
0x1b: {  	s5 =	sadd.s32 s6, s5;
	s6 =	sadd.s32 s8, s0;
	[dreg:$0x1d] =	wrdreg s21  }
0x1c: {  	s8 =	ssub.s32 $0x2, s1;
	s1 =	smul.u32 $0x138800, s1;
	[dreg:$0x1f] =	wrdreg s23  }
0x1d: {  	s13 =	simm.s32 $0x7;
	s14 =	simm.s32 $0x1000;
	[smem:$0x7F2] =	sst s24  }
0x1e: {  	s15 =	simm.s32 $0x64;
	s17 =	simm.s32 $0x5400;
	[smem:$0x7F4] =	sst s26  }
0x1f: {  	s18 =	simm.s32 $0x1;
	s19 =	simm.s32 $0x8800;
	s20 =	simm.s32 $0x2  }
0x20: {  	s21 =	simm.s32 $0x4;
	s23 =	simm.s32 $0x5;
	s7 =	sadd.s32 $0x11400, s5  }
0x21: {  	s24 =	simm.s32 $0x6;
	s5 =	sadd.s32 $0xE00, s5;
	[dreg:$0x4] =	wrdreg s7  }
0x22: {  	s9 =	sshrl.u32 s8, $0x1;
	s6 =	sadd.s32 $0x21400, s6;
	[dreg:$0x5] =	wrdreg s5  }
0x23: {  	s16 =	sshrl.u32 s10, $0x2;
	s10 =	simm.s32 $0x480;
	[smem:$0x7EB] =	sst s6  }
0x24: {  	s7 =	sadd.s32 $0x48600, s0;
	s0 =	sadd.s32 $0x46480, s0;
	[dreg:$0x14] =	wrdreg s10  }
0x25: {  	s25 =	sadd.s32 s22, s1;
	s22 =	simm.s32 $0x700;
	[smem:$0x7EC] =	sst s0  }
0x26: {  	s8 =	ssub.s32 s8, s9;
	s10 =	simm.s32 $0x1880;
	[dreg:$0x1e] =	wrdreg s22  }
0x27: {  	s9 =	sadd.s32 s16, s3;
	s16 =	smax.u32 s8, $0x1;
	[smem:$0x7FB] =	sst s10  }
0x28: {  	s5 =	sshrl.u32 s25, $0x3;
	s25 =	simm.s32 $0x1680;
	[smem:$0x7EF] =	sst s16  }
0x29: {  	s26 =	simm.s32 $0x1900;
	s8 =	simm.s32 $0x1800;
	[smem:$0x7F3] =	sst s25  }
0x2a: {  	s12 =	sshrl.u32 @!p0 s9, $0x3;
	s9 =	simm.s32 $0x980;
	[smem:$0x7F9] =	sst s8  }
0x2b: {  	s6 =	sadd.s32 $0x128400, s3;
	s1 =	sshrl.u32 s1, $0x3;
	[smem:$0x7FA] =	sst s9  }
0x2c: {  	s1 =	sadd.s32 s7, s1;
	s5 =	sadd.s32 s7, s5;
	[smem:$0x7FD] =	sst s12  }
0x2d: {  	s22 =	simm.s32 $0x3;
	s1 =	sadd.s32 $0x25080, s1;
	[smem:$0x7ED] =	sst s5  }
0x2e: {  	s0 =	simm.s32 $0xB80;
	s7 =	simm.s32 $0x900;
	[smem:$0x7EE] =	sst s1  }
0x2f: {  	s16 =	simm.s32 $0x2000;
	s1 =	sshrl.u32 @p0 s6, $0x3;
	[smem:$0x7F8] =	sst s7  }
0x30: {  	s25 =	simm.s32 $0xA00;
	s5 =	simm.s32 $0x880;
	[smem:$0x7F0] =	sst s1  }
0x31: {  	s8 =	simm.s32 $0x1C00;
	s6 =	simm.s32 $0x1780;
	[smem:$0x7F6] =	sst s5  }
0x32: {  	s1 =	sshll.u32 @!p0 s11, $0x6;
	[smem:$0x7F7] =	sst s6;
	s11 =	simm.s32 $0x0  }
0x33: {  	s7 =	simm.s32 $0x1B80;
	s1 =	sor.u32 @!p0 $0x1C07, s1;
	[smem:$0x7FC] =	sst s11  }
0x34: {  	s5 =	simm.s32 $0xC00;
	[smem:$0x7F1] =	sst s1;
	s1 =	simm.s32 $0x1700  }
0x35: {  	s6 =	simm.s32 $0x1B00;
	[smem:$0x7F5] =	sst s1;
	s1 =	simm.s32 $0x1A80  }
.LBB2_1:
0x36: {  	s9 =	sld [smem:$0x7EC]  }
0x37: {  	s11 =	sld [smem:$0x7F0];
	_ =	sdelay $0x1  }
0x38: {  	s10 =	simm.s32 @p0 $0x1FC7  }
0x39: {  	[spmem:s11], [sflag:s10] =	dma.local @p0 [hbm:s9], $0x2080  }
0x3a: {  	s10 =	simm.s32 @p0 $0x7  }
0x3b: {  	_ =	swait.ge @p0 [sflag:s10], $0x2080  }
0x3c: {  	[sflag:s10] =	ssyncset.done @p0 $0x0;
	s9 =	sld [smem:$0x7EB]  }
0x3d: {  	[sflag:s10] =	ssyncadd.s32 @p0 $0xFFFFDF80;
	s10 =	sld [smem:$0x7F1];
	_ =	sdelay $0x2  }
0x3e: {  	[spmem:s12], [sflag:s10] =	dma.local @!p0 [hbm:s9], $0x2780  }
0x3f: {  	s10 =	simm.s32 @!p0 $0x7  }
0x40: {  	_ =	swait.ge @!p0 [sflag:s10], $0x2780  }
0x41: {  	[sflag:s10] =	ssyncset.done @!p0 $0x0  }
0x42: {  	[sflag:s10] =	ssyncadd.s32 @!p0 $0xFFFFD880  }
0x43: {  	[bflag:$0x0] =	sbarrier.arrive $0xFFFF  }
0x44: {  	s11 =	rddreg [dreg:$0x5]  }
0x45: {  	s10 =	sadd.s32 $0x0, s11  }
0x46: {  	[tilespmem:s4], [sflag:$0x7] =	stream.linear.gather [hbm4b:s10+s4], $0xC80, $0x38;
	[tilespmem:$0x1F480] =	vst v63  }
0x47: {  	_ =	swait.ge [sflag:s13], $0xC80  }
0x48: {  	s12 =	rddreg [dreg:$0x4];
	[sflag:s13] =	ssyncset.done $0x0  }
0x49: {  	[sflag:s13] =	ssyncadd.s32 $0xFFFFF380;
	s10 =	sadd.s32 $0x0, s12  }
0x4a: {  	[tilespmem:s14], [sflag:$0x7] =	stream.linear.gather [hbm4b:s10+s4], $0xC80, $0x38;
	[tilespmem:$0x1F480] =	vst v63  }
0x4b: {  	_ =	swait.ge [sflag:s13], $0xC80  }
0x4c: {  	[sflag:s13] =	ssyncset.done $0x0  }
0x4d: {  	[sflag:s13] =	ssyncadd.s32 $0xFFFFF380  }
0x4e: {  	[tilespmem:s16], [sflag:$0x1] =	stream.indirect.gather [hbm4b:s2+s15], $0x80, s4, s15, $0xb8;
	[tilespmem:$0x1F480] =	vst v63  }
0x4f: {  	s9 =	rddreg [dreg:$0x6]  }
0x50: {  	[tilespmem:s17], [sflag:$0x2] =	stream.indirect.gather [hbm4b:s2+s15], $0x80, s9, s15, $0xb8;
	[tilespmem:$0x1F480] =	vst v63  }
0x51: {  	_ =	swait.ge [sflag:s18], $0x3200  }
0x52: {  	[sflag:s18] =	ssyncset.done $0x0  }
0x53: {  	s11 =	rddreg [dreg:$0x7];
	[sflag:s18] =	ssyncadd.s32 $0xFFFFCE00  }
0x54: {  	[tilespmem:s19], [sflag:$0x3] =	stream.indirect.gather [hbm4b:s2+s15], $0x80, s11, s15, $0xb8;
	[tilespmem:$0x1F480] =	vst v63  }
0x55: {  	_ = 	snop  }
0x56: {  	[spmem:s3] =	stream.indirect.scatter.add.f32 [tilespmem:s16], [sflag:$0x4], $0x80, s14, s15, $0xb8;
	[tilespmem:$0x1F480] =	vst v63  }
0x57: {  	_ =	swait.ge [sflag:s20], $0x3200  }
0x58: {  	[sflag:s20] =	ssyncset.done $0x0  }
0x59: {  	[sflag:s20] =	ssyncadd.s32 $0xFFFFCE00  }
0x5a: {  	_ =	swait.ge [sflag:s21], $0x3200  }
0x5b: {  	[sflag:s21] =	ssyncset.done $0x0  }
0x5c: {  	s12 =	rddreg [dreg:$0x8];
	[sflag:s21] =	ssyncadd.s32 $0xFFFFCE00  }
0x5d: {  	[tilespmem:s16], [sflag:$0x1] =	stream.indirect.gather [hbm4b:s2+s15], $0x80, s12, s15, $0xb8;
	[tilespmem:$0x1F480] =	vst v63  }
0x5e: {  	s9 =	rddreg [dreg:$0x9]  }
0x5f: {  	[spmem:s3] =	stream.indirect.scatter.add.f32 [tilespmem:s17], [sflag:$0x5], $0x80, s9, s15, $0xb8;
	[tilespmem:$0x1F480] =	vst v63  }
0x60: {  	_ =	swait.ge [sflag:s22], $0x3200  }
0x61: {  	[sflag:s22] =	ssyncset.done $0x0  }
0x62: {  	[sflag:s22] =	ssyncadd.s32 $0xFFFFCE00  }
0x63: {  	_ =	swait.ge [sflag:s23], $0x3200  }
0x64: {  	[sflag:s23] =	ssyncset.done $0x0  }
0x65: {  	s12 =	rddreg [dreg:$0xa];
	[sflag:s23] =	ssyncadd.s32 $0xFFFFCE00  }
0x66: {  	[tilespmem:s17], [sflag:$0x2] =	stream.indirect.gather [hbm4b:s2+s15], $0x80, s12, s15, $0xb8;
	[tilespmem:$0x1F480] =	vst v63  }
0x67: {  	s9 =	rddreg [dreg:$0xb]  }
0x68: {  	[spmem:s3] =	stream.indirect.scatter.add.f32 [tilespmem:s19], [sflag:$0x6], $0x80, s9, s15, $0xb8;
	[tilespmem:$0x1F480] =	vst v63  }
0x69: {  	_ =	swait.ge [sflag:s18], $0x3200  }
0x6a: {  	[sflag:s18] =	ssyncset.done $0x0  }
0x6b: {  	[sflag:s18] =	ssyncadd.s32 $0xFFFFCE00  }
0x6c: {  	_ =	swait.ge [sflag:s24], $0x3200  }
0x6d: {  	[sflag:s24] =	ssyncset.done $0x0  }
0x6e: {  	s12 =	rddreg [dreg:$0xc];
	[sflag:s24] =	ssyncadd.s32 $0xFFFFCE00  }
0x6f: {  	[tilespmem:s19], [sflag:$0x3] =	stream.indirect.gather [hbm4b:s2+s15], $0x80, s12, s15, $0xb8;
	[tilespmem:$0x1F480] =	vst v63  }
0x70: {  	s9 =	rddreg [dreg:$0xd]  }
0x71: {  	[spmem:s3] =	stream.indirect.scatter.add.f32 [tilespmem:s16], [sflag:$0x4], $0x80, s9, s15, $0xb8;
	[tilespmem:$0x1F480] =	vst v63  }
0x72: {  	_ =	swait.ge [sflag:s20], $0x3200  }
0x73: {  	[sflag:s20] =	ssyncset.done $0x0  }
0x74: {  	[sflag:s20] =	ssyncadd.s32 $0xFFFFCE00  }
0x75: {  	_ =	swait.ge [sflag:s21], $0x3200  }
0x76: {  	[sflag:s21] =	ssyncset.done $0x0  }
0x77: {  	s12 =	rddreg [dreg:$0xe];
	[sflag:s21] =	ssyncadd.s32 $0xFFFFCE00  }
0x78: {  	[tilespmem:s16], [sflag:$0x1] =	stream.indirect.gather [hbm4b:s2+s15], $0x80, s12, s15, $0xb8;
	[tilespmem:$0x1F480] =	vst v63  }
0x79: {  	s9 =	rddreg [dreg:$0xf]  }
0x7a: {  	[spmem:s3] =	stream.indirect.scatter.add.f32 [tilespmem:s17], [sflag:$0x5], $0x80, s9, s15, $0xb8;
	[tilespmem:$0x1F480] =	vst v63  }
0x7b: {  	_ =	swait.ge [sflag:s22], $0x3200  }
0x7c: {  	[sflag:s22] =	ssyncset.done $0x0  }
0x7d: {  	[sflag:s22] =	ssyncadd.s32 $0xFFFFCE00  }
0x7e: {  	_ =	swait.ge [sflag:s23], $0x3200  }
0x7f: {  	[sflag:s23] =	ssyncset.done $0x0  }
0x80: {  	s12 =	rddreg [dreg:$0x10];
	[sflag:s23] =	ssyncadd.s32 $0xFFFFCE00  }
0x81: {  	[tilespmem:s17], [sflag:$0x2] =	stream.indirect.gather [hbm4b:s2+s15], $0x80, s12, s15, $0xb8;
	[tilespmem:$0x1F480] =	vst v63  }
0x82: {  	s9 =	rddreg [dreg:$0x11]  }
0x83: {  	[spmem:s3] =	stream.indirect.scatter.add.f32 [tilespmem:s19], [sflag:$0x6], $0x80, s9, s15, $0xb8;
	[tilespmem:$0x1F480] =	vst v63  }
0x84: {  	_ =	swait.ge [sflag:s18], $0x3200  }
0x85: {  	[sflag:s18] =	ssyncset.done $0x0  }
0x86: {  	[sflag:s18] =	ssyncadd.s32 $0xFFFFCE00  }
0x87: {  	_ =	swait.ge [sflag:s24], $0x3200  }
0x88: {  	[sflag:s24] =	ssyncset.done $0x0  }
0x89: {  	s12 =	rddreg [dreg:$0x12];
	[sflag:s24] =	ssyncadd.s32 $0xFFFFCE00  }
0x8a: {  	[tilespmem:s19], [sflag:$0x3] =	stream.indirect.gather [hbm4b:s2+s15], $0x80, s12, s15, $0xb8;
	[tilespmem:$0x1F480] =	vst v63  }
0x8b: {  	s9 =	rddreg [dreg:$0x13]  }
0x8c: {  	[spmem:s3] =	stream.indirect.scatter.add.f32 [tilespmem:s16], [sflag:$0x4], $0x80, s9, s15, $0xb8;
	[tilespmem:$0x1F480] =	vst v63  }
0x8d: {  	_ =	swait.ge [sflag:s20], $0x3200  }
0x8e: {  	[sflag:s20] =	ssyncset.done $0x0  }
0x8f: {  	[sflag:s20] =	ssyncadd.s32 $0xFFFFCE00  }
0x90: {  	_ =	swait.ge [sflag:s21], $0x3200  }
0x91: {  	[sflag:s21] =	ssyncset.done $0x0  }
0x92: {  	s12 =	rddreg [dreg:$0x14];
	[sflag:s21] =	ssyncadd.s32 $0xFFFFCE00  }
0x93: {  	[tilespmem:s16], [sflag:$0x1] =	stream.indirect.gather [hbm4b:s2+s15], $0x80, s12, s15, $0xb8;
	[tilespmem:$0x1F480] =	vst v63  }
0x94: {  	s9 =	rddreg [dreg:$0x15]  }
0x95: {  	[spmem:s3] =	stream.indirect.scatter.add.f32 [tilespmem:s17], [sflag:$0x5], $0x80, s9, s15, $0xb8;
	[tilespmem:$0x1F480] =	vst v63  }
0x96: {  	_ =	swait.ge [sflag:s22], $0x3200  }
0x97: {  	[sflag:s22] =	ssyncset.done $0x0  }
0x98: {  	[sflag:s22] =	ssyncadd.s32 $0xFFFFCE00  }
0x99: {  	_ =	swait.ge [sflag:s23], $0x3200  }
0x9a: {  	[sflag:s23] =	ssyncset.done $0x0  }
0x9b: {  	s12 =	rddreg [dreg:$0x16];
	[sflag:s23] =	ssyncadd.s32 $0xFFFFCE00  }
0x9c: {  	[tilespmem:s17], [sflag:$0x2] =	stream.indirect.gather [hbm4b:s2+s15], $0x80, s12, s15, $0xb8;
	[tilespmem:$0x1F480] =	vst v63  }
0x9d: {  	s9 =	rddreg [dreg:$0x17]  }
0x9e: {  	[spmem:s3] =	stream.indirect.scatter.add.f32 [tilespmem:s19], [sflag:$0x6], $0x80, s9, s15, $0xb8;
	[tilespmem:$0x1F480] =	vst v63  }
0x9f: {  	_ =	swait.ge [sflag:s18], $0x3200  }
0xa0: {  	[sflag:s18] =	ssyncset.done $0x0  }
0xa1: {  	[sflag:s18] =	ssyncadd.s32 $0xFFFFCE00  }
0xa2: {  	_ =	swait.ge [sflag:s24], $0x3200  }
0xa3: {  	[sflag:s24] =	ssyncset.done $0x0  }
0xa4: {  	s12 =	rddreg [dreg:$0x18];
	[sflag:s24] =	ssyncadd.s32 $0xFFFFCE00  }
0xa5: {  	[tilespmem:s19], [sflag:$0x3] =	stream.indirect.gather [hbm4b:s2+s15], $0x80, s12, s15, $0xb8;
	[tilespmem:$0x1F480] =	vst v63  }
0xa6: {  	s9 =	rddreg [dreg:$0x19]  }
0xa7: {  	[spmem:s3] =	stream.indirect.scatter.add.f32 [tilespmem:s16], [sflag:$0x4], $0x80, s9, s15, $0xb8;
	[tilespmem:$0x1F480] =	vst v63  }
0xa8: {  	_ =	swait.ge [sflag:s20], $0x3200  }
0xa9: {  	[sflag:s20] =	ssyncset.done $0x0  }
0xaa: {  	[sflag:s20] =	ssyncadd.s32 $0xFFFFCE00  }
0xab: {  	_ =	swait.ge [sflag:s21], $0x3200  }
0xac: {  	[sflag:s21] =	ssyncset.done $0x0  }
0xad: {  	s12 =	rddreg [dreg:$0x1a];
	[sflag:s21] =	ssyncadd.s32 $0xFFFFCE00  }
0xae: {  	[tilespmem:s16], [sflag:$0x1] =	stream.indirect.gather [hbm4b:s2+s15], $0x80, s12, s15, $0xb8;
	[tilespmem:$0x1F480] =	vst v63  }
0xaf: {  	s9 =	rddreg [dreg:$0x1b]  }
0xb0: {  	[spmem:s3] =	stream.indirect.scatter.add.f32 [tilespmem:s17], [sflag:$0x5], $0x80, s9, s15, $0xb8;
	[tilespmem:$0x1F480] =	vst v63  }
0xb1: {  	_ =	swait.ge [sflag:s22], $0x3200  }
0xb2: {  	[sflag:s22] =	ssyncset.done $0x0  }
0xb3: {  	[sflag:s22] =	ssyncadd.s32 $0xFFFFCE00  }
0xb4: {  	_ =	swait.ge [sflag:s23], $0x3200  }
0xb5: {  	[sflag:s23] =	ssyncset.done $0x0  }
0xb6: {  	s12 =	rddreg [dreg:$0x1c];
	[sflag:s23] =	ssyncadd.s32 $0xFFFFCE00  }
0xb7: {  	[tilespmem:s17], [sflag:$0x2] =	stream.indirect.gather [hbm4b:s2+s15], $0x80, s12, s15, $0xb8;
	[tilespmem:$0x1F480] =	vst v63  }
0xb8: {  	s9 =	rddreg [dreg:$0x1d]  }
0xb9: {  	[spmem:s3] =	stream.indirect.scatter.add.f32 [tilespmem:s19], [sflag:$0x6], $0x80, s9, s15, $0xb8;
	[tilespmem:$0x1F480] =	vst v63  }
0xba: {  	_ =	swait.ge [sflag:s18], $0x3200  }
0xbb: {  	[sflag:s18] =	ssyncset.done $0x0  }
0xbc: {  	[sflag:s18] =	ssyncadd.s32 $0xFFFFCE00  }
0xbd: {  	_ =	swait.ge [sflag:s24], $0x3200  }
0xbe: {  	[sflag:s24] =	ssyncset.done $0x0  }
0xbf: {  	s12 =	rddreg [dreg:$0x1e];
	[sflag:s24] =	ssyncadd.s32 $0xFFFFCE00  }
0xc0: {  	[tilespmem:s19], [sflag:$0x3] =	stream.indirect.gather [hbm4b:s2+s15], $0x80, s12, s15, $0xb8;
	[tilespmem:$0x1F480] =	vst v63  }
0xc1: {  	s9 =	rddreg [dreg:$0x1f]  }
0xc2: {  	[spmem:s3] =	stream.indirect.scatter.add.f32 [tilespmem:s16], [sflag:$0x4], $0x80, s9, s15, $0xb8;
	[tilespmem:$0x1F480] =	vst v63  }
0xc3: {  	_ =	swait.ge [sflag:s20], $0x3200  }
0xc4: {  	[sflag:s20] =	ssyncset.done $0x0  }
0xc5: {  	[sflag:s20] =	ssyncadd.s32 $0xFFFFCE00  }
0xc6: {  	_ =	swait.ge [sflag:s21], $0x3200  }
0xc7: {  	s12 =	sld [smem:$0x7F2]  }
0xc8: {  	[sflag:s21] =	ssyncset.done $0x0  }
0xc9: {  	s9 =	sld [smem:$0x7F3];
	[sflag:s21] =	ssyncadd.s32 $0xFFFFCE00  }
0xca: {  	[tilespmem:s16], [sflag:$0x1] =	stream.indirect.gather [hbm4b:s2+s15], $0x80, s12, s15, $0xb8;
	[tilespmem:$0x1F480] =	vst v63  }
0xcb: {  	_ = 	snop  }
0xcc: {  	[spmem:s3] =	stream.indirect.scatter.add.f32 [tilespmem:s17], [sflag:$0x5], $0x80, s9, s15, $0xb8;
	[tilespmem:$0x1F480] =	vst v63  }
0xcd: {  	_ =	swait.ge [sflag:s22], $0x3200  }
0xce: {  	[sflag:s22] =	ssyncset.done $0x0  }
0xcf: {  	[sflag:s22] =	ssyncadd.s32 $0xFFFFCE00  }
0xd0: {  	_ =	swait.ge [sflag:s23], $0x3200  }
0xd1: {  	s12 =	sld [smem:$0x7F4]  }
0xd2: {  	[sflag:s23] =	ssyncset.done $0x0  }
0xd3: {  	s9 =	sld [smem:$0x7F5];
	[sflag:s23] =	ssyncadd.s32 $0xFFFFCE00  }
0xd4: {  	[tilespmem:s17], [sflag:$0x2] =	stream.indirect.gather [hbm4b:s2+s15], $0x80, s12, s15, $0xb8;
	[tilespmem:$0x1F480] =	vst v63  }
0xd5: {  	_ = 	snop  }
0xd6: {  	[spmem:s3] =	stream.indirect.scatter.add.f32 [tilespmem:s19], [sflag:$0x6], $0x80, s9, s15, $0xb8;
	[tilespmem:$0x1F480] =	vst v63  }
0xd7: {  	_ =	swait.ge [sflag:s18], $0x3200  }
0xd8: {  	[sflag:s18] =	ssyncset.done $0x0  }
0xd9: {  	[sflag:s18] =	ssyncadd.s32 $0xFFFFCE00  }
0xda: {  	_ =	swait.ge [sflag:s24], $0x3200  }
0xdb: {  	s12 =	sld [smem:$0x7F6]  }
0xdc: {  	[sflag:s24] =	ssyncset.done $0x0  }
0xdd: {  	s9 =	sld [smem:$0x7F7];
	[sflag:s24] =	ssyncadd.s32 $0xFFFFCE00  }
0xde: {  	[tilespmem:s19], [sflag:$0x3] =	stream.indirect.gather [hbm4b:s2+s15], $0x80, s12, s15, $0xb8;
	[tilespmem:$0x1F480] =	vst v63  }
0xdf: {  	_ = 	snop  }
0xe0: {  	[spmem:s3] =	stream.indirect.scatter.add.f32 [tilespmem:s16], [sflag:$0x4], $0x80, s9, s15, $0xb8;
	[tilespmem:$0x1F480] =	vst v63  }
0xe1: {  	_ =	swait.ge [sflag:s20], $0x3200  }
0xe2: {  	[sflag:s20] =	ssyncset.done $0x0  }
0xe3: {  	[sflag:s20] =	ssyncadd.s32 $0xFFFFCE00  }
0xe4: {  	_ =	swait.ge [sflag:s21], $0x3200  }
0xe5: {  	s12 =	sld [smem:$0x7F8]  }
0xe6: {  	[sflag:s21] =	ssyncset.done $0x0  }
0xe7: {  	s9 =	sld [smem:$0x7F9];
	[sflag:s21] =	ssyncadd.s32 $0xFFFFCE00  }
0xe8: {  	[tilespmem:s16], [sflag:$0x1] =	stream.indirect.gather [hbm4b:s2+s15], $0x80, s12, s15, $0xb8;
	[tilespmem:$0x1F480] =	vst v63  }
0xe9: {  	_ = 	snop  }
0xea: {  	[spmem:s3] =	stream.indirect.scatter.add.f32 [tilespmem:s17], [sflag:$0x5], $0x80, s9, s15, $0xb8;
	[tilespmem:$0x1F480] =	vst v63  }
0xeb: {  	_ =	swait.ge [sflag:s22], $0x3200  }
0xec: {  	[sflag:s22] =	ssyncset.done $0x0  }
0xed: {  	[sflag:s22] =	ssyncadd.s32 $0xFFFFCE00  }
0xee: {  	_ =	swait.ge [sflag:s23], $0x3200  }
0xef: {  	s11 =	sld [smem:$0x7FA]  }
0xf0: {  	[sflag:s23] =	ssyncset.done $0x0  }
0xf1: {  	s12 =	sld [smem:$0x7FB];
	[sflag:s23] =	ssyncadd.s32 $0xFFFFCE00  }
0xf2: {  	[tilespmem:s17], [sflag:$0x2] =	stream.indirect.gather [hbm4b:s2+s15], $0x80, s11, s15, $0xb8;
	[tilespmem:$0x1F480] =	vst v63  }
0xf3: {  	_ = 	snop  }
0xf4: {  	[spmem:s3] =	stream.indirect.scatter.add.f32 [tilespmem:s19], [sflag:$0x6], $0x80, s12, s15, $0xb8;
	[tilespmem:$0x1F480] =	vst v63  }
0xf5: {  	_ =	swait.ge [sflag:s18], $0x3200  }
0xf6: {  	[sflag:s18] =	ssyncset.done $0x0  }
0xf7: {  	[sflag:s18] =	ssyncadd.s32 $0xFFFFCE00  }
0xf8: {  	_ =	swait.ge [sflag:s24], $0x3200  }
0xf9: {  	[sflag:s24] =	ssyncset.done $0x0  }
0xfa: {  	[sflag:s24] =	ssyncadd.s32 $0xFFFFCE00  }
0xfb: {  	[tilespmem:s19], [sflag:$0x3] =	stream.indirect.gather [hbm4b:s2+s15], $0x80, s25, s15, $0xb8;
	[tilespmem:$0x1F480] =	vst v63  }
0xfc: {  	_ = 	snop  }
0xfd: {  	[spmem:s3] =	stream.indirect.scatter.add.f32 [tilespmem:s16], [sflag:$0x4], $0x80, s26, s15, $0xb8;
	[tilespmem:$0x1F480] =	vst v63  }
0xfe: {  	_ =	swait.ge [sflag:s20], $0x3200  }
0xff: {  	[sflag:s20] =	ssyncset.done $0x0  }
0x100: {  	[sflag:s20] =	ssyncadd.s32 $0xFFFFCE00  }
0x101: {  	_ =	swait.ge [sflag:s21], $0x3200  }
0x102: {  	[sflag:s21] =	ssyncset.done $0x0  }
0x103: {  	[sflag:s21] =	ssyncadd.s32 $0xFFFFCE00  }
0x104: {  	[tilespmem:s16], [sflag:$0x1] =	stream.indirect.gather [hbm4b:s2+s15], $0x80, s28, s15, $0xb8;
	[tilespmem:$0x1F480] =	vst v63  }
0x105: {  	_ = 	snop  }
0x106: {  	[spmem:s3] =	stream.indirect.scatter.add.f32 [tilespmem:s17], [sflag:$0x5], $0x80, s29, s15, $0xb8;
	[tilespmem:$0x1F480] =	vst v63  }
0x107: {  	_ =	swait.ge [sflag:s22], $0x3200  }
0x108: {  	[sflag:s22] =	ssyncset.done $0x0  }
0x109: {  	[sflag:s22] =	ssyncadd.s32 $0xFFFFCE00  }
0x10a: {  	_ =	swait.ge [sflag:s23], $0x3200  }
0x10b: {  	[sflag:s23] =	ssyncset.done $0x0  }
0x10c: {  	[sflag:s23] =	ssyncadd.s32 $0xFFFFCE00  }
0x10d: {  	[tilespmem:s17], [sflag:$0x2] =	stream.indirect.gather [hbm4b:s2+s15], $0x80, s30, s15, $0xb8;
	[tilespmem:$0x1F480] =	vst v63  }
0x10e: {  	_ = 	snop  }
0x10f: {  	[spmem:s3] =	stream.indirect.scatter.add.f32 [tilespmem:s19], [sflag:$0x6], $0x80, s31, s15, $0xb8;
	[tilespmem:$0x1F480] =	vst v63  }
0x110: {  	_ =	swait.ge [sflag:s18], $0x3200  }
0x111: {  	[sflag:s18] =	ssyncset.done $0x0  }
0x112: {  	[sflag:s18] =	ssyncadd.s32 $0xFFFFCE00  }
0x113: {  	_ =	swait.ge [sflag:s24], $0x3200  }
0x114: {  	[sflag:s24] =	ssyncset.done $0x0  }
0x115: {  	[sflag:s24] =	ssyncadd.s32 $0xFFFFCE00  }
0x116: {  	[tilespmem:s19], [sflag:$0x3] =	stream.indirect.gather [hbm4b:s2+s15], $0x80, s0, s15, $0xb8;
	[tilespmem:$0x1F480] =	vst v63  }
0x117: {  	_ = 	snop  }
0x118: {  	[spmem:s3] =	stream.indirect.scatter.add.f32 [tilespmem:s16], [sflag:$0x4], $0x80, s1, s15, $0xb8;
	[tilespmem:$0x1F480] =	vst v63  }
0x119: {  	_ =	swait.ge [sflag:s20], $0x3200  }
0x11a: {  	[sflag:s20] =	ssyncset.done $0x0  }
0x11b: {  	[sflag:s20] =	ssyncadd.s32 $0xFFFFCE00  }
0x11c: {  	_ =	swait.ge [sflag:s21], $0x3200  }
0x11d: {  	[sflag:s21] =	ssyncset.done $0x0  }
0x11e: {  	[sflag:s21] =	ssyncadd.s32 $0xFFFFCE00  }
0x11f: {  	[tilespmem:s16], [sflag:$0x1] =	stream.indirect.gather [hbm4b:s2+s15], $0x80, s5, s15, $0xb8;
	[tilespmem:$0x1F480] =	vst v63  }
0x120: {  	_ = 	snop  }
0x121: {  	[spmem:s3] =	stream.indirect.scatter.add.f32 [tilespmem:s17], [sflag:$0x5], $0x80, s6, s15, $0xb8;
	[tilespmem:$0x1F480] =	vst v63  }
0x122: {  	_ =	swait.ge [sflag:s22], $0x3200  }
0x123: {  	[sflag:s22] =	ssyncset.done $0x0  }
0x124: {  	[sflag:s22] =	ssyncadd.s32 $0xFFFFCE00  }
0x125: {  	_ =	swait.ge [sflag:s23], $0x3200  }
0x126: {  	[sflag:s23] =	ssyncset.done $0x0  }
0x127: {  	[sflag:s23] =	ssyncadd.s32 $0xFFFFCE00  }
0x128: {  	[spmem:s3] =	stream.indirect.scatter.add.f32 [tilespmem:s19], [sflag:$0x6], $0x80, s7, s15, $0xb8;
	[tilespmem:$0x1F480] =	vst v63  }
0x129: {  	_ =	swait.ge [sflag:s18], $0x3200  }
0x12a: {  	[sflag:s18] =	ssyncset.done $0x0  }
0x12b: {  	[sflag:s18] =	ssyncadd.s32 $0xFFFFCE00  }
0x12c: {  	_ =	swait.ge [sflag:s24], $0x3200  }
0x12d: {  	[sflag:s24] =	ssyncset.done $0x0  }
0x12e: {  	[sflag:s24] =	ssyncadd.s32 $0xFFFFCE00  }
0x12f: {  	[spmem:s3] =	stream.indirect.scatter.add.f32 [tilespmem:s16], [sflag:$0x4], $0x80, s8, s15, $0xb8;
	[tilespmem:$0x1F480] =	vst v63  }
0x130: {  	s10 =	simm.s32 $0x200;
	_ =	swait.ge [sflag:s21], $0x3200  }
0x131: {  	s11 =	simm.s32 $0x400;
	s12 =	rddreg [dreg:$0x5];
	[sflag:s21] =	ssyncset.done $0x0  }
.LBB2_2:
0x132: {  	[sflag:s21] =	ssyncadd.s32 $0xFFFFCE00;
	s12 =	sadd.s32 s10, s12  }
0x133: {  	[tilespmem:s4], [sflag:$0x7] =	stream.linear.gather [hbm4b:s12+s4], $0xC80, $0x38;
	[tilespmem:$0x1F480] =	vst v63  }
0x134: {  	_ =	swait.ge [sflag:s13], $0xC80  }
0x135: {  	s12 =	rddreg [dreg:$0x4];
	[sflag:s13] =	ssyncset.done $0x0  }
0x136: {  	[sflag:s13] =	ssyncadd.s32 $0xFFFFF380;
	s12 =	sadd.s32 s10, s12  }
0x137: {  	[tilespmem:s14], [sflag:$0x7] =	stream.linear.gather [hbm4b:s12+s4], $0xC80, $0x38;
	[tilespmem:$0x1F480] =	vst v63  }
0x138: {  	_ =	swait.ge [sflag:s13], $0xC80  }
0x139: {  	[sflag:s13] =	ssyncset.done $0x0  }
0x13a: {  	[sflag:s13] =	ssyncadd.s32 $0xFFFFF380  }
0x13b: {  	[tilespmem:s16], [sflag:$0x1] =	stream.indirect.gather [hbm4b:s2+s15], $0x80, s4, s15, $0xb8;
	[tilespmem:$0x1F480] =	vst v63  }
0x13c: {  	s12 =	rddreg [dreg:$0x6]  }
0x13d: {  	[tilespmem:s17], [sflag:$0x2] =	stream.indirect.gather [hbm4b:s2+s15], $0x80, s12, s15, $0xb8;
	[tilespmem:$0x1F480] =	vst v63  }
0x13e: {  	_ =	swait.ge [sflag:s18], $0x3200  }
0x13f: {  	[sflag:s18] =	ssyncset.done $0x0  }
0x140: {  	s12 =	rddreg [dreg:$0x7];
	[sflag:s18] =	ssyncadd.s32 $0xFFFFCE00  }
0x141: {  	[tilespmem:s19], [sflag:$0x3] =	stream.indirect.gather [hbm4b:s2+s15], $0x80, s12, s15, $0xb8;
	[tilespmem:$0x1F480] =	vst v63  }
0x142: {  	_ = 	snop  }
0x143: {  	[spmem:s3] =	stream.indirect.scatter.add.f32 [tilespmem:s16], [sflag:$0x4], $0x80, s14, s15, $0xb8;
	[tilespmem:$0x1F480] =	vst v63  }
0x144: {  	_ =	swait.ge [sflag:s20], $0x3200  }
0x145: {  	[sflag:s20] =	ssyncset.done $0x0  }
0x146: {  	[sflag:s20] =	ssyncadd.s32 $0xFFFFCE00  }
0x147: {  	_ =	swait.ge [sflag:s21], $0x3200  }
0x148: {  	s9 =	smov.u32 s11;
	[sflag:s21] =	ssyncset.done $0x0  }
0x149: {  	s10 =	smov.u32 s9;
	s9 =	rddreg [dreg:$0x8];
	[sflag:s21] =	ssyncadd.s32 $0xFFFFCE00  }
0x14a: {  	[tilespmem:s16], [sflag:$0x1] =	stream.indirect.gather [hbm4b:s2+s15], $0x80, s9, s15, $0xb8;
	[tilespmem:$0x1F480] =	vst v63  }
0x14b: {  	s12 =	rddreg [dreg:$0x9]  }
0x14c: {  	[spmem:s3] =	stream.indirect.scatter.add.f32 [tilespmem:s17], [sflag:$0x5], $0x80, s12, s15, $0xb8;
	[tilespmem:$0x1F480] =	vst v63  }
0x14d: {  	_ =	swait.ge [sflag:s22], $0x3200  }
0x14e: {  	[sflag:s22] =	ssyncset.done $0x0  }
0x14f: {  	[sflag:s22] =	ssyncadd.s32 $0xFFFFCE00  }
0x150: {  	_ =	swait.ge [sflag:s23], $0x3200  }
0x151: {  	[sflag:s23] =	ssyncset.done $0x0  }
0x152: {  	s9 =	rddreg [dreg:$0xa];
	[sflag:s23] =	ssyncadd.s32 $0xFFFFCE00  }
0x153: {  	[tilespmem:s17], [sflag:$0x2] =	stream.indirect.gather [hbm4b:s2+s15], $0x80, s9, s15, $0xb8;
	[tilespmem:$0x1F480] =	vst v63  }
0x154: {  	s12 =	rddreg [dreg:$0xb]  }
0x155: {  	[spmem:s3] =	stream.indirect.scatter.add.f32 [tilespmem:s19], [sflag:$0x6], $0x80, s12, s15, $0xb8;
	[tilespmem:$0x1F480] =	vst v63  }
0x156: {  	_ =	swait.ge [sflag:s18], $0x3200  }
0x157: {  	[sflag:s18] =	ssyncset.done $0x0  }
0x158: {  	[sflag:s18] =	ssyncadd.s32 $0xFFFFCE00  }
0x159: {  	_ =	swait.ge [sflag:s24], $0x3200  }
0x15a: {  	[sflag:s24] =	ssyncset.done $0x0  }
0x15b: {  	s9 =	rddreg [dreg:$0xc];
	[sflag:s24] =	ssyncadd.s32 $0xFFFFCE00  }
0x15c: {  	[tilespmem:s19], [sflag:$0x3] =	stream.indirect.gather [hbm4b:s2+s15], $0x80, s9, s15, $0xb8;
	[tilespmem:$0x1F480] =	vst v63  }
0x15d: {  	s12 =	rddreg [dreg:$0xd]  }
0x15e: {  	[spmem:s3] =	stream.indirect.scatter.add.f32 [tilespmem:s16], [sflag:$0x4], $0x80, s12, s15, $0xb8;
	[tilespmem:$0x1F480] =	vst v63  }
0x15f: {  	_ =	swait.ge [sflag:s20], $0x3200  }
0x160: {  	[sflag:s20] =	ssyncset.done $0x0  }
0x161: {  	[sflag:s20] =	ssyncadd.s32 $0xFFFFCE00  }
0x162: {  	_ =	swait.ge [sflag:s21], $0x3200  }
0x163: {  	[sflag:s21] =	ssyncset.done $0x0  }
0x164: {  	s9 =	rddreg [dreg:$0xe];
	[sflag:s21] =	ssyncadd.s32 $0xFFFFCE00  }
0x165: {  	[tilespmem:s16], [sflag:$0x1] =	stream.indirect.gather [hbm4b:s2+s15], $0x80, s9, s15, $0xb8;
	[tilespmem:$0x1F480] =	vst v63  }
0x166: {  	s12 =	rddreg [dreg:$0xf]  }
0x167: {  	[spmem:s3] =	stream.indirect.scatter.add.f32 [tilespmem:s17], [sflag:$0x5], $0x80, s12, s15, $0xb8;
	[tilespmem:$0x1F480] =	vst v63  }
0x168: {  	_ =	swait.ge [sflag:s22], $0x3200  }
0x169: {  	[sflag:s22] =	ssyncset.done $0x0  }
0x16a: {  	[sflag:s22] =	ssyncadd.s32 $0xFFFFCE00  }
0x16b: {  	_ =	swait.ge [sflag:s23], $0x3200  }
0x16c: {  	[sflag:s23] =	ssyncset.done $0x0  }
0x16d: {  	s9 =	rddreg [dreg:$0x10];
	[sflag:s23] =	ssyncadd.s32 $0xFFFFCE00  }
0x16e: {  	[tilespmem:s17], [sflag:$0x2] =	stream.indirect.gather [hbm4b:s2+s15], $0x80, s9, s15, $0xb8;
	[tilespmem:$0x1F480] =	vst v63  }
0x16f: {  	s12 =	rddreg [dreg:$0x11]  }
0x170: {  	[spmem:s3] =	stream.indirect.scatter.add.f32 [tilespmem:s19], [sflag:$0x6], $0x80, s12, s15, $0xb8;
	[tilespmem:$0x1F480] =	vst v63  }
0x171: {  	_ =	swait.ge [sflag:s18], $0x3200  }
0x172: {  	[sflag:s18] =	ssyncset.done $0x0  }
0x173: {  	[sflag:s18] =	ssyncadd.s32 $0xFFFFCE00  }
0x174: {  	_ =	swait.ge [sflag:s24], $0x3200  }
0x175: {  	[sflag:s24] =	ssyncset.done $0x0  }
0x176: {  	s9 =	rddreg [dreg:$0x12];
	[sflag:s24] =	ssyncadd.s32 $0xFFFFCE00  }
0x177: {  	[tilespmem:s19], [sflag:$0x3] =	stream.indirect.gather [hbm4b:s2+s15], $0x80, s9, s15, $0xb8;
	[tilespmem:$0x1F480] =	vst v63  }
0x178: {  	s12 =	rddreg [dreg:$0x13]  }
0x179: {  	[spmem:s3] =	stream.indirect.scatter.add.f32 [tilespmem:s16], [sflag:$0x4], $0x80, s12, s15, $0xb8;
	[tilespmem:$0x1F480] =	vst v63  }
0x17a: {  	_ =	swait.ge [sflag:s20], $0x3200  }
0x17b: {  	[sflag:s20] =	ssyncset.done $0x0  }
0x17c: {  	[sflag:s20] =	ssyncadd.s32 $0xFFFFCE00  }
0x17d: {  	_ =	swait.ge [sflag:s21], $0x3200  }
0x17e: {  	[sflag:s21] =	ssyncset.done $0x0  }
0x17f: {  	s9 =	rddreg [dreg:$0x14];
	[sflag:s21] =	ssyncadd.s32 $0xFFFFCE00  }
0x180: {  	[tilespmem:s16], [sflag:$0x1] =	stream.indirect.gather [hbm4b:s2+s15], $0x80, s9, s15, $0xb8;
	[tilespmem:$0x1F480] =	vst v63  }
0x181: {  	s12 =	rddreg [dreg:$0x15]  }
0x182: {  	[spmem:s3] =	stream.indirect.scatter.add.f32 [tilespmem:s17], [sflag:$0x5], $0x80, s12, s15, $0xb8;
	[tilespmem:$0x1F480] =	vst v63  }
0x183: {  	_ =	swait.ge [sflag:s22], $0x3200  }
0x184: {  	[sflag:s22] =	ssyncset.done $0x0  }
0x185: {  	[sflag:s22] =	ssyncadd.s32 $0xFFFFCE00  }
0x186: {  	_ =	swait.ge [sflag:s23], $0x3200  }
0x187: {  	[sflag:s23] =	ssyncset.done $0x0  }
0x188: {  	s9 =	rddreg [dreg:$0x16];
	[sflag:s23] =	ssyncadd.s32 $0xFFFFCE00  }
0x189: {  	[tilespmem:s17], [sflag:$0x2] =	stream.indirect.gather [hbm4b:s2+s15], $0x80, s9, s15, $0xb8;
	[tilespmem:$0x1F480] =	vst v63  }
0x18a: {  	s12 =	rddreg [dreg:$0x17]  }
0x18b: {  	[spmem:s3] =	stream.indirect.scatter.add.f32 [tilespmem:s19], [sflag:$0x6], $0x80, s12, s15, $0xb8;
	[tilespmem:$0x1F480] =	vst v63  }
0x18c: {  	_ =	swait.ge [sflag:s18], $0x3200  }
0x18d: {  	[sflag:s18] =	ssyncset.done $0x0  }
0x18e: {  	[sflag:s18] =	ssyncadd.s32 $0xFFFFCE00  }
0x18f: {  	_ =	swait.ge [sflag:s24], $0x3200  }
0x190: {  	[sflag:s24] =	ssyncset.done $0x0  }
0x191: {  	s9 =	rddreg [dreg:$0x18];
	[sflag:s24] =	ssyncadd.s32 $0xFFFFCE00  }
0x192: {  	[tilespmem:s19], [sflag:$0x3] =	stream.indirect.gather [hbm4b:s2+s15], $0x80, s9, s15, $0xb8;
	[tilespmem:$0x1F480] =	vst v63  }
0x193: {  	s12 =	rddreg [dreg:$0x19]  }
0x194: {  	[spmem:s3] =	stream.indirect.scatter.add.f32 [tilespmem:s16], [sflag:$0x4], $0x80, s12, s15, $0xb8;
	[tilespmem:$0x1F480] =	vst v63  }
0x195: {  	_ =	swait.ge [sflag:s20], $0x3200  }
0x196: {  	[sflag:s20] =	ssyncset.done $0x0  }
0x197: {  	[sflag:s20] =	ssyncadd.s32 $0xFFFFCE00  }
0x198: {  	_ =	swait.ge [sflag:s21], $0x3200  }
0x199: {  	[sflag:s21] =	ssyncset.done $0x0  }
0x19a: {  	s9 =	rddreg [dreg:$0x1a];
	[sflag:s21] =	ssyncadd.s32 $0xFFFFCE00  }
0x19b: {  	[tilespmem:s16], [sflag:$0x1] =	stream.indirect.gather [hbm4b:s2+s15], $0x80, s9, s15, $0xb8;
	[tilespmem:$0x1F480] =	vst v63  }
0x19c: {  	s12 =	rddreg [dreg:$0x1b]  }
0x19d: {  	[spmem:s3] =	stream.indirect.scatter.add.f32 [tilespmem:s17], [sflag:$0x5], $0x80, s12, s15, $0xb8;
	[tilespmem:$0x1F480] =	vst v63  }
0x19e: {  	_ =	swait.ge [sflag:s22], $0x3200  }
0x19f: {  	[sflag:s22] =	ssyncset.done $0x0  }
0x1a0: {  	[sflag:s22] =	ssyncadd.s32 $0xFFFFCE00  }
0x1a1: {  	_ =	swait.ge [sflag:s23], $0x3200  }
0x1a2: {  	[sflag:s23] =	ssyncset.done $0x0  }
0x1a3: {  	s9 =	rddreg [dreg:$0x1c];
	[sflag:s23] =	ssyncadd.s32 $0xFFFFCE00  }
0x1a4: {  	[tilespmem:s17], [sflag:$0x2] =	stream.indirect.gather [hbm4b:s2+s15], $0x80, s9, s15, $0xb8;
	[tilespmem:$0x1F480] =	vst v63  }
0x1a5: {  	s12 =	rddreg [dreg:$0x1d]  }
0x1a6: {  	[spmem:s3] =	stream.indirect.scatter.add.f32 [tilespmem:s19], [sflag:$0x6], $0x80, s12, s15, $0xb8;
	[tilespmem:$0x1F480] =	vst v63  }
0x1a7: {  	_ =	swait.ge [sflag:s18], $0x3200  }
0x1a8: {  	[sflag:s18] =	ssyncset.done $0x0  }
0x1a9: {  	[sflag:s18] =	ssyncadd.s32 $0xFFFFCE00  }
0x1aa: {  	_ =	swait.ge [sflag:s24], $0x3200  }
0x1ab: {  	[sflag:s24] =	ssyncset.done $0x0  }
0x1ac: {  	s9 =	rddreg [dreg:$0x1e];
	[sflag:s24] =	ssyncadd.s32 $0xFFFFCE00  }
0x1ad: {  	[tilespmem:s19], [sflag:$0x3] =	stream.indirect.gather [hbm4b:s2+s15], $0x80, s9, s15, $0xb8;
	[tilespmem:$0x1F480] =	vst v63  }
0x1ae: {  	s12 =	rddreg [dreg:$0x1f]  }
0x1af: {  	[spmem:s3] =	stream.indirect.scatter.add.f32 [tilespmem:s16], [sflag:$0x4], $0x80, s12, s15, $0xb8;
	[tilespmem:$0x1F480] =	vst v63  }
0x1b0: {  	_ =	swait.ge [sflag:s20], $0x3200  }
0x1b1: {  	[sflag:s20] =	ssyncset.done $0x0  }
0x1b2: {  	[sflag:s20] =	ssyncadd.s32 $0xFFFFCE00  }
0x1b3: {  	_ =	swait.ge [sflag:s21], $0x3200  }
0x1b4: {  	s9 =	sld [smem:$0x7F2]  }
0x1b5: {  	[sflag:s21] =	ssyncset.done $0x0  }
0x1b6: {  	s12 =	sld [smem:$0x7F3];
	[sflag:s21] =	ssyncadd.s32 $0xFFFFCE00  }
0x1b7: {  	[tilespmem:s16], [sflag:$0x1] =	stream.indirect.gather [hbm4b:s2+s15], $0x80, s9, s15, $0xb8;
	[tilespmem:$0x1F480] =	vst v63  }
0x1b8: {  	_ = 	snop  }
0x1b9: {  	[spmem:s3] =	stream.indirect.scatter.add.f32 [tilespmem:s17], [sflag:$0x5], $0x80, s12, s15, $0xb8;
	[tilespmem:$0x1F480] =	vst v63  }
0x1ba: {  	_ =	swait.ge [sflag:s22], $0x3200  }
0x1bb: {  	[sflag:s22] =	ssyncset.done $0x0  }
0x1bc: {  	[sflag:s22] =	ssyncadd.s32 $0xFFFFCE00  }
0x1bd: {  	_ =	swait.ge [sflag:s23], $0x3200  }
0x1be: {  	s9 =	sld [smem:$0x7F4]  }
0x1bf: {  	[sflag:s23] =	ssyncset.done $0x0  }
0x1c0: {  	s12 =	sld [smem:$0x7F5];
	[sflag:s23] =	ssyncadd.s32 $0xFFFFCE00  }
0x1c1: {  	[tilespmem:s17], [sflag:$0x2] =	stream.indirect.gather [hbm4b:s2+s15], $0x80, s9, s15, $0xb8;
	[tilespmem:$0x1F480] =	vst v63  }
0x1c2: {  	_ = 	snop  }
0x1c3: {  	[spmem:s3] =	stream.indirect.scatter.add.f32 [tilespmem:s19], [sflag:$0x6], $0x80, s12, s15, $0xb8;
	[tilespmem:$0x1F480] =	vst v63  }
0x1c4: {  	_ =	swait.ge [sflag:s18], $0x3200  }
0x1c5: {  	[sflag:s18] =	ssyncset.done $0x0  }
0x1c6: {  	[sflag:s18] =	ssyncadd.s32 $0xFFFFCE00  }
0x1c7: {  	_ =	swait.ge [sflag:s24], $0x3200  }
0x1c8: {  	s9 =	sld [smem:$0x7F6]  }
0x1c9: {  	[sflag:s24] =	ssyncset.done $0x0  }
0x1ca: {  	s12 =	sld [smem:$0x7F7];
	[sflag:s24] =	ssyncadd.s32 $0xFFFFCE00  }
0x1cb: {  	[tilespmem:s19], [sflag:$0x3] =	stream.indirect.gather [hbm4b:s2+s15], $0x80, s9, s15, $0xb8;
	[tilespmem:$0x1F480] =	vst v63  }
0x1cc: {  	_ = 	snop  }
0x1cd: {  	[spmem:s3] =	stream.indirect.scatter.add.f32 [tilespmem:s16], [sflag:$0x4], $0x80, s12, s15, $0xb8;
	[tilespmem:$0x1F480] =	vst v63  }
0x1ce: {  	_ =	swait.ge [sflag:s20], $0x3200  }
0x1cf: {  	[sflag:s20] =	ssyncset.done $0x0  }
0x1d0: {  	[sflag:s20] =	ssyncadd.s32 $0xFFFFCE00  }
0x1d1: {  	_ =	swait.ge [sflag:s21], $0x3200  }
0x1d2: {  	s9 =	sld [smem:$0x7F8]  }
0x1d3: {  	[sflag:s21] =	ssyncset.done $0x0  }
0x1d4: {  	s12 =	sld [smem:$0x7F9];
	[sflag:s21] =	ssyncadd.s32 $0xFFFFCE00  }
0x1d5: {  	[tilespmem:s16], [sflag:$0x1] =	stream.indirect.gather [hbm4b:s2+s15], $0x80, s9, s15, $0xb8;
	[tilespmem:$0x1F480] =	vst v63  }
0x1d6: {  	_ = 	snop  }
0x1d7: {  	[spmem:s3] =	stream.indirect.scatter.add.f32 [tilespmem:s17], [sflag:$0x5], $0x80, s12, s15, $0xb8;
	[tilespmem:$0x1F480] =	vst v63  }
0x1d8: {  	_ =	swait.ge [sflag:s22], $0x3200  }
0x1d9: {  	[sflag:s22] =	ssyncset.done $0x0  }
0x1da: {  	[sflag:s22] =	ssyncadd.s32 $0xFFFFCE00  }
0x1db: {  	_ =	swait.ge [sflag:s23], $0x3200  }
0x1dc: {  	s9 =	sld [smem:$0x7FA]  }
0x1dd: {  	[sflag:s23] =	ssyncset.done $0x0  }
0x1de: {  	s12 =	sld [smem:$0x7FB];
	[sflag:s23] =	ssyncadd.s32 $0xFFFFCE00  }
0x1df: {  	[tilespmem:s17], [sflag:$0x2] =	stream.indirect.gather [hbm4b:s2+s15], $0x80, s9, s15, $0xb8;
	[tilespmem:$0x1F480] =	vst v63  }
0x1e0: {  	_ = 	snop  }
0x1e1: {  	[spmem:s3] =	stream.indirect.scatter.add.f32 [tilespmem:s19], [sflag:$0x6], $0x80, s12, s15, $0xb8;
	[tilespmem:$0x1F480] =	vst v63  }
0x1e2: {  	_ =	swait.ge [sflag:s18], $0x3200  }
0x1e3: {  	[sflag:s18] =	ssyncset.done $0x0  }
0x1e4: {  	[sflag:s18] =	ssyncadd.s32 $0xFFFFCE00  }
0x1e5: {  	_ =	swait.ge [sflag:s24], $0x3200  }
0x1e6: {  	[sflag:s24] =	ssyncset.done $0x0  }
0x1e7: {  	[sflag:s24] =	ssyncadd.s32 $0xFFFFCE00  }
0x1e8: {  	[tilespmem:s19], [sflag:$0x3] =	stream.indirect.gather [hbm4b:s2+s15], $0x80, s25, s15, $0xb8;
	[tilespmem:$0x1F480] =	vst v63  }
0x1e9: {  	_ = 	snop  }
0x1ea: {  	[spmem:s3] =	stream.indirect.scatter.add.f32 [tilespmem:s16], [sflag:$0x4], $0x80, s26, s15, $0xb8;
	[tilespmem:$0x1F480] =	vst v63  }
0x1eb: {  	_ =	swait.ge [sflag:s20], $0x3200  }
0x1ec: {  	[sflag:s20] =	ssyncset.done $0x0  }
0x1ed: {  	[sflag:s20] =	ssyncadd.s32 $0xFFFFCE00  }
0x1ee: {  	_ =	swait.ge [sflag:s21], $0x3200  }
0x1ef: {  	[sflag:s21] =	ssyncset.done $0x0  }
0x1f0: {  	[sflag:s21] =	ssyncadd.s32 $0xFFFFCE00  }
0x1f1: {  	[tilespmem:s16], [sflag:$0x1] =	stream.indirect.gather [hbm4b:s2+s15], $0x80, s28, s15, $0xb8;
	[tilespmem:$0x1F480] =	vst v63  }
0x1f2: {  	_ = 	snop  }
0x1f3: {  	[spmem:s3] =	stream.indirect.scatter.add.f32 [tilespmem:s17], [sflag:$0x5], $0x80, s29, s15, $0xb8;
	[tilespmem:$0x1F480] =	vst v63  }
0x1f4: {  	_ =	swait.ge [sflag:s22], $0x3200  }
0x1f5: {  	[sflag:s22] =	ssyncset.done $0x0  }
0x1f6: {  	[sflag:s22] =	ssyncadd.s32 $0xFFFFCE00  }
0x1f7: {  	_ =	swait.ge [sflag:s23], $0x3200  }
0x1f8: {  	[sflag:s23] =	ssyncset.done $0x0  }
0x1f9: {  	[sflag:s23] =	ssyncadd.s32 $0xFFFFCE00  }
0x1fa: {  	[tilespmem:s17], [sflag:$0x2] =	stream.indirect.gather [hbm4b:s2+s15], $0x80, s30, s15, $0xb8;
	[tilespmem:$0x1F480] =	vst v63  }
0x1fb: {  	_ = 	snop  }
0x1fc: {  	[spmem:s3] =	stream.indirect.scatter.add.f32 [tilespmem:s19], [sflag:$0x6], $0x80, s31, s15, $0xb8;
	[tilespmem:$0x1F480] =	vst v63  }
0x1fd: {  	_ =	swait.ge [sflag:s18], $0x3200  }
0x1fe: {  	[sflag:s18] =	ssyncset.done $0x0  }
0x1ff: {  	[sflag:s18] =	ssyncadd.s32 $0xFFFFCE00  }
0x200: {  	_ =	swait.ge [sflag:s24], $0x3200  }
0x201: {  	[sflag:s24] =	ssyncset.done $0x0  }
0x202: {  	[sflag:s24] =	ssyncadd.s32 $0xFFFFCE00  }
0x203: {  	[tilespmem:s19], [sflag:$0x3] =	stream.indirect.gather [hbm4b:s2+s15], $0x80, s0, s15, $0xb8;
	[tilespmem:$0x1F480] =	vst v63  }
0x204: {  	_ = 	snop  }
0x205: {  	[spmem:s3] =	stream.indirect.scatter.add.f32 [tilespmem:s16], [sflag:$0x4], $0x80, s1, s15, $0xb8;
	[tilespmem:$0x1F480] =	vst v63  }
0x206: {  	_ =	swait.ge [sflag:s20], $0x3200  }
0x207: {  	[sflag:s20] =	ssyncset.done $0x0  }
0x208: {  	[sflag:s20] =	ssyncadd.s32 $0xFFFFCE00  }
0x209: {  	_ =	swait.ge [sflag:s21], $0x3200  }
0x20a: {  	[sflag:s21] =	ssyncset.done $0x0  }
0x20b: {  	[sflag:s21] =	ssyncadd.s32 $0xFFFFCE00  }
0x20c: {  	[tilespmem:s16], [sflag:$0x1] =	stream.indirect.gather [hbm4b:s2+s15], $0x80, s5, s15, $0xb8;
	[tilespmem:$0x1F480] =	vst v63  }
0x20d: {  	_ = 	snop  }
0x20e: {  	[spmem:s3] =	stream.indirect.scatter.add.f32 [tilespmem:s17], [sflag:$0x5], $0x80, s6, s15, $0xb8;
	[tilespmem:$0x1F480] =	vst v63  }
0x20f: {  	_ =	swait.ge [sflag:s22], $0x3200  }
0x210: {  	[sflag:s22] =	ssyncset.done $0x0  }
0x211: {  	[sflag:s22] =	ssyncadd.s32 $0xFFFFCE00  }
0x212: {  	_ =	swait.ge [sflag:s23], $0x3200  }
0x213: {  	[sflag:s23] =	ssyncset.done $0x0  }
0x214: {  	[sflag:s23] =	ssyncadd.s32 $0xFFFFCE00  }
0x215: {  	[spmem:s3] =	stream.indirect.scatter.add.f32 [tilespmem:s19], [sflag:$0x6], $0x80, s7, s15, $0xb8;
	[tilespmem:$0x1F480] =	vst v63  }
0x216: {  	_ =	swait.ge [sflag:s18], $0x3200  }
0x217: {  	[sflag:s18] =	ssyncset.done $0x0  }
0x218: {  	[sflag:s18] =	ssyncadd.s32 $0xFFFFCE00  }
0x219: {  	p1 =	sne.s32 s11, $0x600;
	_ =	swait.ge [sflag:s24], $0x3200  }
.Ltmp0:
0x21a: {  	[sflag:s24] =	ssyncset.done $0x0;
	(pc) =	sbr.rel @p1 .LBB2_2-.Ltmp0, $4  }
0x21b: {  	[sflag:s24] =	ssyncadd.s32 $0xFFFFCE00  }
0x21c: {  	[spmem:s3] =	stream.indirect.scatter.add.f32 [tilespmem:s16], [sflag:$0x4], $0x80, s8, s15, $0xb8;
	[tilespmem:$0x1F480] =	vst v63  }
0x21d: {  	_ =	swait.ge [sflag:s21], $0x3200  }
0x21e: {  	s11 =	sadd.s32 $0x200, s11;
	s12 =	rddreg [dreg:$0x5];
	[sflag:s21] =	ssyncset.done $0x0  }
0x21f: {  	[sflag:s21] =	ssyncadd.s32 $0xFFFFCE00;
	s9 =	sadd.s32 s10, s12  }
0x220: {  	[tilespmem:s4], [sflag:$0x7] =	stream.linear.gather [hbm4b:s9+s4], $0xC80, $0x38;
	[tilespmem:$0x1F480] =	vst v63  }
0x221: {  	_ =	swait.ge [sflag:s13], $0xC80  }
0x222: {  	s11 =	rddreg [dreg:$0x4];
	[sflag:s13] =	ssyncset.done $0x0  }
0x223: {  	[sflag:s13] =	ssyncadd.s32 $0xFFFFF380;
	s9 =	sadd.s32 s10, s11  }
0x224: {  	[tilespmem:s14], [sflag:$0x7] =	stream.linear.gather [hbm4b:s9+s4], $0xC80, $0x38;
	[tilespmem:$0x1F480] =	vst v63  }
0x225: {  	_ =	swait.ge [sflag:s13], $0xC80  }
0x226: {  	[sflag:s13] =	ssyncset.done $0x0  }
0x227: {  	[sflag:s13] =	ssyncadd.s32 $0xFFFFF380  }
0x228: {  	[tilespmem:s16], [sflag:$0x1] =	stream.indirect.gather [hbm4b:s2+s15], $0x80, s4, s15, $0xb8;
	[tilespmem:$0x1F480] =	vst v63  }
0x229: {  	s12 =	rddreg [dreg:$0x6]  }
0x22a: {  	[tilespmem:s17], [sflag:$0x2] =	stream.indirect.gather [hbm4b:s2+s15], $0x80, s12, s15, $0xb8;
	[tilespmem:$0x1F480] =	vst v63  }
0x22b: {  	_ =	swait.ge [sflag:s18], $0x3200  }
0x22c: {  	[sflag:s18] =	ssyncset.done $0x0  }
0x22d: {  	s10 =	rddreg [dreg:$0x7];
	[sflag:s18] =	ssyncadd.s32 $0xFFFFCE00  }
0x22e: {  	[tilespmem:s19], [sflag:$0x3] =	stream.indirect.gather [hbm4b:s2+s15], $0x80, s10, s15, $0xb8;
	[tilespmem:$0x1F480] =	vst v63  }
0x22f: {  	_ = 	snop  }
0x230: {  	[spmem:s3] =	stream.indirect.scatter.add.f32 [tilespmem:s16], [sflag:$0x4], $0x80, s14, s15, $0xb8;
	[tilespmem:$0x1F480] =	vst v63  }
0x231: {  	_ =	swait.ge [sflag:s20], $0x3200  }
0x232: {  	[sflag:s20] =	ssyncset.done $0x0  }
0x233: {  	[sflag:s20] =	ssyncadd.s32 $0xFFFFCE00  }
0x234: {  	_ =	swait.ge [sflag:s21], $0x3200  }
0x235: {  	[sflag:s21] =	ssyncset.done $0x0  }
0x236: {  	s11 =	rddreg [dreg:$0x8];
	[sflag:s21] =	ssyncadd.s32 $0xFFFFCE00  }
0x237: {  	[tilespmem:s16], [sflag:$0x1] =	stream.indirect.gather [hbm4b:s2+s15], $0x80, s11, s15, $0xb8;
	[tilespmem:$0x1F480] =	vst v63  }
0x238: {  	s12 =	rddreg [dreg:$0x9]  }
0x239: {  	[spmem:s3] =	stream.indirect.scatter.add.f32 [tilespmem:s17], [sflag:$0x5], $0x80, s12, s15, $0xb8;
	[tilespmem:$0x1F480] =	vst v63  }
0x23a: {  	_ =	swait.ge [sflag:s22], $0x3200  }
0x23b: {  	[sflag:s22] =	ssyncset.done $0x0  }
0x23c: {  	[sflag:s22] =	ssyncadd.s32 $0xFFFFCE00  }
0x23d: {  	_ =	swait.ge [sflag:s23], $0x3200  }
0x23e: {  	[sflag:s23] =	ssyncset.done $0x0  }
0x23f: {  	s11 =	rddreg [dreg:$0xa];
	[sflag:s23] =	ssyncadd.s32 $0xFFFFCE00  }
0x240: {  	[tilespmem:s17], [sflag:$0x2] =	stream.indirect.gather [hbm4b:s2+s15], $0x80, s11, s15, $0xb8;
	[tilespmem:$0x1F480] =	vst v63  }
0x241: {  	s12 =	rddreg [dreg:$0xb]  }
0x242: {  	[spmem:s3] =	stream.indirect.scatter.add.f32 [tilespmem:s19], [sflag:$0x6], $0x80, s12, s15, $0xb8;
	[tilespmem:$0x1F480] =	vst v63  }
0x243: {  	_ =	swait.ge [sflag:s18], $0x3200  }
0x244: {  	[sflag:s18] =	ssyncset.done $0x0  }
0x245: {  	[sflag:s18] =	ssyncadd.s32 $0xFFFFCE00  }
0x246: {  	_ =	swait.ge [sflag:s24], $0x3200  }
0x247: {  	[sflag:s24] =	ssyncset.done $0x0  }
0x248: {  	s11 =	rddreg [dreg:$0xc];
	[sflag:s24] =	ssyncadd.s32 $0xFFFFCE00  }
0x249: {  	[tilespmem:s19], [sflag:$0x3] =	stream.indirect.gather [hbm4b:s2+s15], $0x80, s11, s15, $0xb8;
	[tilespmem:$0x1F480] =	vst v63  }
0x24a: {  	s12 =	rddreg [dreg:$0xd]  }
0x24b: {  	[spmem:s3] =	stream.indirect.scatter.add.f32 [tilespmem:s16], [sflag:$0x4], $0x80, s12, s15, $0xb8;
	[tilespmem:$0x1F480] =	vst v63  }
0x24c: {  	_ =	swait.ge [sflag:s20], $0x3200  }
0x24d: {  	[sflag:s20] =	ssyncset.done $0x0  }
0x24e: {  	[sflag:s20] =	ssyncadd.s32 $0xFFFFCE00  }
0x24f: {  	_ =	swait.ge [sflag:s21], $0x3200  }
0x250: {  	[sflag:s21] =	ssyncset.done $0x0  }
0x251: {  	s11 =	rddreg [dreg:$0xe];
	[sflag:s21] =	ssyncadd.s32 $0xFFFFCE00  }
0x252: {  	[tilespmem:s16], [sflag:$0x1] =	stream.indirect.gather [hbm4b:s2+s15], $0x80, s11, s15, $0xb8;
	[tilespmem:$0x1F480] =	vst v63  }
0x253: {  	s12 =	rddreg [dreg:$0xf]  }
0x254: {  	[spmem:s3] =	stream.indirect.scatter.add.f32 [tilespmem:s17], [sflag:$0x5], $0x80, s12, s15, $0xb8;
	[tilespmem:$0x1F480] =	vst v63  }
0x255: {  	_ =	swait.ge [sflag:s22], $0x3200  }
0x256: {  	[sflag:s22] =	ssyncset.done $0x0  }
0x257: {  	[sflag:s22] =	ssyncadd.s32 $0xFFFFCE00  }
0x258: {  	_ =	swait.ge [sflag:s23], $0x3200  }
0x259: {  	[sflag:s23] =	ssyncset.done $0x0  }
0x25a: {  	s11 =	rddreg [dreg:$0x10];
	[sflag:s23] =	ssyncadd.s32 $0xFFFFCE00  }
0x25b: {  	[tilespmem:s17], [sflag:$0x2] =	stream.indirect.gather [hbm4b:s2+s15], $0x80, s11, s15, $0xb8;
	[tilespmem:$0x1F480] =	vst v63  }
0x25c: {  	s12 =	rddreg [dreg:$0x11]  }
0x25d: {  	[spmem:s3] =	stream.indirect.scatter.add.f32 [tilespmem:s19], [sflag:$0x6], $0x80, s12, s15, $0xb8;
	[tilespmem:$0x1F480] =	vst v63  }
0x25e: {  	_ =	swait.ge [sflag:s18], $0x3200  }
0x25f: {  	[sflag:s18] =	ssyncset.done $0x0  }
0x260: {  	[sflag:s18] =	ssyncadd.s32 $0xFFFFCE00  }
0x261: {  	_ =	swait.ge [sflag:s24], $0x3200  }
0x262: {  	[sflag:s24] =	ssyncset.done $0x0  }
0x263: {  	s11 =	rddreg [dreg:$0x12];
	[sflag:s24] =	ssyncadd.s32 $0xFFFFCE00  }
0x264: {  	[tilespmem:s19], [sflag:$0x3] =	stream.indirect.gather [hbm4b:s2+s15], $0x80, s11, s15, $0xb8;
	[tilespmem:$0x1F480] =	vst v63  }
0x265: {  	s12 =	rddreg [dreg:$0x13]  }
0x266: {  	[spmem:s3] =	stream.indirect.scatter.add.f32 [tilespmem:s16], [sflag:$0x4], $0x80, s12, s15, $0xb8;
	[tilespmem:$0x1F480] =	vst v63  }
0x267: {  	_ =	swait.ge [sflag:s20], $0x3200  }
0x268: {  	[sflag:s20] =	ssyncset.done $0x0  }
0x269: {  	[sflag:s20] =	ssyncadd.s32 $0xFFFFCE00  }
0x26a: {  	_ =	swait.ge [sflag:s21], $0x3200  }
0x26b: {  	[sflag:s21] =	ssyncset.done $0x0  }
0x26c: {  	s11 =	rddreg [dreg:$0x14];
	[sflag:s21] =	ssyncadd.s32 $0xFFFFCE00  }
0x26d: {  	[tilespmem:s16], [sflag:$0x1] =	stream.indirect.gather [hbm4b:s2+s15], $0x80, s11, s15, $0xb8;
	[tilespmem:$0x1F480] =	vst v63  }
0x26e: {  	s12 =	rddreg [dreg:$0x15]  }
0x26f: {  	[spmem:s3] =	stream.indirect.scatter.add.f32 [tilespmem:s17], [sflag:$0x5], $0x80, s12, s15, $0xb8;
	[tilespmem:$0x1F480] =	vst v63  }
0x270: {  	_ =	swait.ge [sflag:s22], $0x3200  }
0x271: {  	[sflag:s22] =	ssyncset.done $0x0  }
0x272: {  	[sflag:s22] =	ssyncadd.s32 $0xFFFFCE00  }
0x273: {  	_ =	swait.ge [sflag:s23], $0x3200  }
0x274: {  	[sflag:s23] =	ssyncset.done $0x0  }
0x275: {  	s11 =	rddreg [dreg:$0x16];
	[sflag:s23] =	ssyncadd.s32 $0xFFFFCE00  }
0x276: {  	[tilespmem:s17], [sflag:$0x2] =	stream.indirect.gather [hbm4b:s2+s15], $0x80, s11, s15, $0xb8;
	[tilespmem:$0x1F480] =	vst v63  }
0x277: {  	s12 =	rddreg [dreg:$0x17]  }
0x278: {  	[spmem:s3] =	stream.indirect.scatter.add.f32 [tilespmem:s19], [sflag:$0x6], $0x80, s12, s15, $0xb8;
	[tilespmem:$0x1F480] =	vst v63  }
0x279: {  	_ =	swait.ge [sflag:s18], $0x3200  }
0x27a: {  	[sflag:s18] =	ssyncset.done $0x0  }
0x27b: {  	[sflag:s18] =	ssyncadd.s32 $0xFFFFCE00  }
0x27c: {  	_ =	swait.ge [sflag:s24], $0x3200  }
0x27d: {  	[sflag:s24] =	ssyncset.done $0x0  }
0x27e: {  	s11 =	rddreg [dreg:$0x18];
	[sflag:s24] =	ssyncadd.s32 $0xFFFFCE00  }
0x27f: {  	[tilespmem:s19], [sflag:$0x3] =	stream.indirect.gather [hbm4b:s2+s15], $0x80, s11, s15, $0xb8;
	[tilespmem:$0x1F480] =	vst v63  }
0x280: {  	s12 =	rddreg [dreg:$0x19]  }
0x281: {  	[spmem:s3] =	stream.indirect.scatter.add.f32 [tilespmem:s16], [sflag:$0x4], $0x80, s12, s15, $0xb8;
	[tilespmem:$0x1F480] =	vst v63  }
0x282: {  	_ =	swait.ge [sflag:s20], $0x3200  }
0x283: {  	[sflag:s20] =	ssyncset.done $0x0  }
0x284: {  	[sflag:s20] =	ssyncadd.s32 $0xFFFFCE00  }
0x285: {  	_ =	swait.ge [sflag:s21], $0x3200  }
0x286: {  	[sflag:s21] =	ssyncset.done $0x0  }
0x287: {  	s11 =	rddreg [dreg:$0x1a];
	[sflag:s21] =	ssyncadd.s32 $0xFFFFCE00  }
0x288: {  	[tilespmem:s16], [sflag:$0x1] =	stream.indirect.gather [hbm4b:s2+s15], $0x80, s11, s15, $0xb8;
	[tilespmem:$0x1F480] =	vst v63  }
0x289: {  	s12 =	rddreg [dreg:$0x1b]  }
0x28a: {  	[spmem:s3] =	stream.indirect.scatter.add.f32 [tilespmem:s17], [sflag:$0x5], $0x80, s12, s15, $0xb8;
	[tilespmem:$0x1F480] =	vst v63  }
0x28b: {  	_ =	swait.ge [sflag:s22], $0x3200  }
0x28c: {  	[sflag:s22] =	ssyncset.done $0x0  }
0x28d: {  	[sflag:s22] =	ssyncadd.s32 $0xFFFFCE00  }
0x28e: {  	_ =	swait.ge [sflag:s23], $0x3200  }
0x28f: {  	[sflag:s23] =	ssyncset.done $0x0  }
0x290: {  	s11 =	rddreg [dreg:$0x1c];
	[sflag:s23] =	ssyncadd.s32 $0xFFFFCE00  }
0x291: {  	[tilespmem:s17], [sflag:$0x2] =	stream.indirect.gather [hbm4b:s2+s15], $0x80, s11, s15, $0xb8;
	[tilespmem:$0x1F480] =	vst v63  }
0x292: {  	s12 =	rddreg [dreg:$0x1d]  }
0x293: {  	[spmem:s3] =	stream.indirect.scatter.add.f32 [tilespmem:s19], [sflag:$0x6], $0x80, s12, s15, $0xb8;
	[tilespmem:$0x1F480] =	vst v63  }
0x294: {  	_ =	swait.ge [sflag:s18], $0x3200  }
0x295: {  	[sflag:s18] =	ssyncset.done $0x0  }
0x296: {  	[sflag:s18] =	ssyncadd.s32 $0xFFFFCE00  }
0x297: {  	_ =	swait.ge [sflag:s24], $0x3200  }
0x298: {  	[sflag:s24] =	ssyncset.done $0x0  }
0x299: {  	s11 =	rddreg [dreg:$0x1e];
	[sflag:s24] =	ssyncadd.s32 $0xFFFFCE00  }
0x29a: {  	[tilespmem:s19], [sflag:$0x3] =	stream.indirect.gather [hbm4b:s2+s15], $0x80, s11, s15, $0xb8;
	[tilespmem:$0x1F480] =	vst v63  }
0x29b: {  	s12 =	rddreg [dreg:$0x1f]  }
0x29c: {  	[spmem:s3] =	stream.indirect.scatter.add.f32 [tilespmem:s16], [sflag:$0x4], $0x80, s12, s15, $0xb8;
	[tilespmem:$0x1F480] =	vst v63  }
0x29d: {  	_ =	swait.ge [sflag:s20], $0x3200  }
0x29e: {  	[sflag:s20] =	ssyncset.done $0x0  }
0x29f: {  	[sflag:s20] =	ssyncadd.s32 $0xFFFFCE00  }
0x2a0: {  	_ =	swait.ge [sflag:s21], $0x3200  }
0x2a1: {  	s11 =	sld [smem:$0x7F2]  }
0x2a2: {  	[sflag:s21] =	ssyncset.done $0x0  }
0x2a3: {  	s12 =	sld [smem:$0x7F3];
	[sflag:s21] =	ssyncadd.s32 $0xFFFFCE00  }
0x2a4: {  	[tilespmem:s16], [sflag:$0x1] =	stream.indirect.gather [hbm4b:s2+s15], $0x80, s11, s15, $0xb8;
	[tilespmem:$0x1F480] =	vst v63  }
0x2a5: {  	_ = 	snop  }
0x2a6: {  	[spmem:s3] =	stream.indirect.scatter.add.f32 [tilespmem:s17], [sflag:$0x5], $0x80, s12, s15, $0xb8;
	[tilespmem:$0x1F480] =	vst v63  }
0x2a7: {  	_ =	swait.ge [sflag:s22], $0x3200  }
0x2a8: {  	[sflag:s22] =	ssyncset.done $0x0  }
0x2a9: {  	[sflag:s22] =	ssyncadd.s32 $0xFFFFCE00  }
0x2aa: {  	_ =	swait.ge [sflag:s23], $0x3200  }
0x2ab: {  	s11 =	sld [smem:$0x7F4]  }
0x2ac: {  	[sflag:s23] =	ssyncset.done $0x0  }
0x2ad: {  	s12 =	sld [smem:$0x7F5];
	[sflag:s23] =	ssyncadd.s32 $0xFFFFCE00  }
0x2ae: {  	[tilespmem:s17], [sflag:$0x2] =	stream.indirect.gather [hbm4b:s2+s15], $0x80, s11, s15, $0xb8;
	[tilespmem:$0x1F480] =	vst v63  }
0x2af: {  	_ = 	snop  }
0x2b0: {  	[spmem:s3] =	stream.indirect.scatter.add.f32 [tilespmem:s19], [sflag:$0x6], $0x80, s12, s15, $0xb8;
	[tilespmem:$0x1F480] =	vst v63  }
0x2b1: {  	_ =	swait.ge [sflag:s18], $0x3200  }
0x2b2: {  	[sflag:s18] =	ssyncset.done $0x0  }
0x2b3: {  	[sflag:s18] =	ssyncadd.s32 $0xFFFFCE00  }
0x2b4: {  	_ =	swait.ge [sflag:s24], $0x3200  }
0x2b5: {  	s11 =	sld [smem:$0x7F6]  }
0x2b6: {  	[sflag:s24] =	ssyncset.done $0x0  }
0x2b7: {  	s12 =	sld [smem:$0x7F7];
	[sflag:s24] =	ssyncadd.s32 $0xFFFFCE00  }
0x2b8: {  	[tilespmem:s19], [sflag:$0x3] =	stream.indirect.gather [hbm4b:s2+s15], $0x80, s11, s15, $0xb8;
	[tilespmem:$0x1F480] =	vst v63  }
0x2b9: {  	_ = 	snop  }
0x2ba: {  	[spmem:s3] =	stream.indirect.scatter.add.f32 [tilespmem:s16], [sflag:$0x4], $0x80, s12, s15, $0xb8;
	[tilespmem:$0x1F480] =	vst v63  }
0x2bb: {  	_ =	swait.ge [sflag:s20], $0x3200  }
0x2bc: {  	[sflag:s20] =	ssyncset.done $0x0  }
0x2bd: {  	[sflag:s20] =	ssyncadd.s32 $0xFFFFCE00  }
0x2be: {  	_ =	swait.ge [sflag:s21], $0x3200  }
0x2bf: {  	s11 =	sld [smem:$0x7F8]  }
0x2c0: {  	[sflag:s21] =	ssyncset.done $0x0  }
0x2c1: {  	s12 =	sld [smem:$0x7F9];
	[sflag:s21] =	ssyncadd.s32 $0xFFFFCE00  }
0x2c2: {  	[tilespmem:s16], [sflag:$0x1] =	stream.indirect.gather [hbm4b:s2+s15], $0x80, s11, s15, $0xb8;
	[tilespmem:$0x1F480] =	vst v63  }
0x2c3: {  	_ = 	snop  }
0x2c4: {  	[spmem:s3] =	stream.indirect.scatter.add.f32 [tilespmem:s17], [sflag:$0x5], $0x80, s12, s15, $0xb8;
	[tilespmem:$0x1F480] =	vst v63  }
0x2c5: {  	_ =	swait.ge [sflag:s22], $0x3200  }
0x2c6: {  	[sflag:s22] =	ssyncset.done $0x0  }
0x2c7: {  	[sflag:s22] =	ssyncadd.s32 $0xFFFFCE00  }
0x2c8: {  	_ =	swait.ge [sflag:s23], $0x3200  }
0x2c9: {  	s11 =	sld [smem:$0x7FA]  }
0x2ca: {  	[sflag:s23] =	ssyncset.done $0x0  }
0x2cb: {  	s12 =	sld [smem:$0x7FB];
	[sflag:s23] =	ssyncadd.s32 $0xFFFFCE00  }
0x2cc: {  	[tilespmem:s17], [sflag:$0x2] =	stream.indirect.gather [hbm4b:s2+s15], $0x80, s11, s15, $0xb8;
	[tilespmem:$0x1F480] =	vst v63  }
0x2cd: {  	_ = 	snop  }
0x2ce: {  	[spmem:s3] =	stream.indirect.scatter.add.f32 [tilespmem:s19], [sflag:$0x6], $0x80, s12, s15, $0xb8;
	[tilespmem:$0x1F480] =	vst v63  }
0x2cf: {  	_ =	swait.ge [sflag:s18], $0x3200  }
0x2d0: {  	[sflag:s18] =	ssyncset.done $0x0  }
0x2d1: {  	[sflag:s18] =	ssyncadd.s32 $0xFFFFCE00  }
0x2d2: {  	_ =	swait.ge [sflag:s24], $0x3200  }
0x2d3: {  	[sflag:s24] =	ssyncset.done $0x0  }
0x2d4: {  	[sflag:s24] =	ssyncadd.s32 $0xFFFFCE00  }
0x2d5: {  	[tilespmem:s19], [sflag:$0x3] =	stream.indirect.gather [hbm4b:s2+s15], $0x80, s25, s15, $0xb8;
	[tilespmem:$0x1F480] =	vst v63  }
0x2d6: {  	_ = 	snop  }
0x2d7: {  	[spmem:s3] =	stream.indirect.scatter.add.f32 [tilespmem:s16], [sflag:$0x4], $0x80, s26, s15, $0xb8;
	[tilespmem:$0x1F480] =	vst v63  }
0x2d8: {  	_ =	swait.ge [sflag:s20], $0x3200  }
0x2d9: {  	[sflag:s20] =	ssyncset.done $0x0  }
0x2da: {  	[sflag:s20] =	ssyncadd.s32 $0xFFFFCE00  }
0x2db: {  	_ =	swait.ge [sflag:s21], $0x3200  }
0x2dc: {  	[sflag:s21] =	ssyncset.done $0x0  }
0x2dd: {  	[sflag:s21] =	ssyncadd.s32 $0xFFFFCE00  }
0x2de: {  	[tilespmem:s16], [sflag:$0x1] =	stream.indirect.gather [hbm4b:s2+s15], $0x80, s28, s15, $0xb8;
	[tilespmem:$0x1F480] =	vst v63  }
0x2df: {  	_ = 	snop  }
0x2e0: {  	[spmem:s3] =	stream.indirect.scatter.add.f32 [tilespmem:s17], [sflag:$0x5], $0x80, s29, s15, $0xb8;
	[tilespmem:$0x1F480] =	vst v63  }
0x2e1: {  	_ =	swait.ge [sflag:s22], $0x3200  }
0x2e2: {  	[sflag:s22] =	ssyncset.done $0x0  }
0x2e3: {  	[sflag:s22] =	ssyncadd.s32 $0xFFFFCE00  }
0x2e4: {  	_ =	swait.ge [sflag:s23], $0x3200  }
0x2e5: {  	[sflag:s23] =	ssyncset.done $0x0  }
0x2e6: {  	[sflag:s23] =	ssyncadd.s32 $0xFFFFCE00  }
0x2e7: {  	[tilespmem:s17], [sflag:$0x2] =	stream.indirect.gather [hbm4b:s2+s15], $0x80, s30, s15, $0xb8;
	[tilespmem:$0x1F480] =	vst v63  }
0x2e8: {  	_ = 	snop  }
0x2e9: {  	[spmem:s3] =	stream.indirect.scatter.add.f32 [tilespmem:s19], [sflag:$0x6], $0x80, s31, s15, $0xb8;
	[tilespmem:$0x1F480] =	vst v63  }
0x2ea: {  	_ =	swait.ge [sflag:s18], $0x3200  }
0x2eb: {  	[sflag:s18] =	ssyncset.done $0x0  }
0x2ec: {  	[sflag:s18] =	ssyncadd.s32 $0xFFFFCE00  }
0x2ed: {  	_ =	swait.ge [sflag:s24], $0x3200  }
0x2ee: {  	[sflag:s24] =	ssyncset.done $0x0  }
0x2ef: {  	[sflag:s24] =	ssyncadd.s32 $0xFFFFCE00  }
0x2f0: {  	[tilespmem:s19], [sflag:$0x3] =	stream.indirect.gather [hbm4b:s2+s15], $0x80, s0, s15, $0xb8;
	[tilespmem:$0x1F480] =	vst v63  }
0x2f1: {  	_ = 	snop  }
0x2f2: {  	[spmem:s3] =	stream.indirect.scatter.add.f32 [tilespmem:s16], [sflag:$0x4], $0x80, s1, s15, $0xb8;
	[tilespmem:$0x1F480] =	vst v63  }
0x2f3: {  	_ =	swait.ge [sflag:s20], $0x3200  }
0x2f4: {  	[sflag:s20] =	ssyncset.done $0x0  }
0x2f5: {  	[sflag:s20] =	ssyncadd.s32 $0xFFFFCE00  }
0x2f6: {  	_ =	swait.ge [sflag:s21], $0x3200  }
0x2f7: {  	[sflag:s21] =	ssyncset.done $0x0  }
0x2f8: {  	[sflag:s21] =	ssyncadd.s32 $0xFFFFCE00  }
0x2f9: {  	[tilespmem:s16], [sflag:$0x1] =	stream.indirect.gather [hbm4b:s2+s15], $0x80, s5, s15, $0xb8;
	[tilespmem:$0x1F480] =	vst v63  }
0x2fa: {  	_ = 	snop  }
0x2fb: {  	[spmem:s3] =	stream.indirect.scatter.add.f32 [tilespmem:s17], [sflag:$0x5], $0x80, s6, s15, $0xb8;
	[tilespmem:$0x1F480] =	vst v63  }
0x2fc: {  	_ =	swait.ge [sflag:s22], $0x3200  }
0x2fd: {  	[sflag:s22] =	ssyncset.done $0x0  }
0x2fe: {  	[sflag:s22] =	ssyncadd.s32 $0xFFFFCE00  }
0x2ff: {  	_ =	swait.ge [sflag:s23], $0x3200  }
0x300: {  	[sflag:s23] =	ssyncset.done $0x0  }
0x301: {  	[sflag:s23] =	ssyncadd.s32 $0xFFFFCE00  }
0x302: {  	[spmem:s3] =	stream.indirect.scatter.add.f32 [tilespmem:s19], [sflag:$0x6], $0x80, s7, s15, $0xb8;
	[tilespmem:$0x1F480] =	vst v63  }
0x303: {  	_ =	swait.ge [sflag:s18], $0x3200  }
0x304: {  	[sflag:s18] =	ssyncset.done $0x0  }
0x305: {  	[sflag:s18] =	ssyncadd.s32 $0xFFFFCE00  }
0x306: {  	_ =	swait.ge [sflag:s24], $0x3200  }
0x307: {  	[sflag:s24] =	ssyncset.done $0x0  }
0x308: {  	[sflag:s24] =	ssyncadd.s32 $0xFFFFCE00  }
0x309: {  	[spmem:s3] =	stream.indirect.scatter.add.f32 [tilespmem:s16], [sflag:$0x4], $0x80, s8, s15, $0xb8;
	[tilespmem:$0x1F480] =	vst v63  }
0x30a: {  	_ =	swait.ge [sflag:s21], $0x3200  }
0x30b: {  	[sflag:s21] =	ssyncset.done $0x0  }
0x30c: {  	[sflag:s21] =	ssyncadd.s32 $0xFFFFCE00  }
0x30d: {  	[bflag:$0x0] =	sbarrier.arrive $0xFFFF  }
0x30e: {  	s10 =	sld [smem:$0x7EE]  }
0x30f: {  	s11 =	sld [smem:$0x7F0];
	_ =	sdelay $0x1  }
0x310: {  	s9 =	simm.s32 @p0 $0x1FC7  }
0x311: {  	[hbm:s10], [sflag:s9] =	dma.local @p0 [spmem:s11], $0x2080  }
0x312: {  	s9 =	simm.s32 @p0 $0x7  }
0x313: {  	_ =	swait.ge @p0 [sflag:s9], $0x2080  }
0x314: {  	s10 =	sld [smem:$0x7F1]  }
0x315: {  	[sflag:s9] =	ssyncset.done @p0 $0x0;
	s12 =	sld [smem:$0x7FD]  }
0x316: {  	[sflag:s9] =	ssyncadd.s32 @p0 $0xFFFFDF80;
	s9 =	sld [smem:$0x7ED];
	_ =	sdelay $0x2  }
0x317: {  	[hbm:s9], [sflag:s10] =	dma.local @!p0 [spmem:s12], $0x2780  }
0x318: {  	s9 =	simm.s32 @!p0 $0x7  }
0x319: {  	_ =	swait.ge @!p0 [sflag:s9], $0x2780  }
0x31a: {  	s10 =	sld [smem:$0x7FC];
	_ =	sdelay $0x2  }
0x31b: {  	s11 =	sadd.s32 $0x1, s10;
	s10 =	sld [smem:$0x7EF];
	_ =	sdelay $0x2  }
0x31c: {  	p1 =	sne.s32 s11, s10  }
.Ltmp1:
0x31d: {  	_ = 	snop;
	(pc) =	sbr.rel @p1 .LBB2_1-.Ltmp1, $3  }
0x31e: {  	_ =	sdelay $0x1  }
0x31f: {  	[sflag:s9] =	ssyncset.done @!p0 $0x0  }
0x320: {  	[sflag:s9] =	ssyncadd.s32 @!p0 $0xFFFFD880;
	[smem:$0x7FC] =	sst s11  }
0x321: {  	_ =	sfence.sel $0x180000  }
0x322: {  	[bflag:$0x0] =	sbarrier.arrive $0xFFFF  }
0x323: {  	_ =	strace $0x9000004A  }
0x324: {  	s0 =	stileid.u32;
	[bflag:$0x2] =	sbarrier.arrive $0xFFFF  }
0x325: {  	p0 =	sne.s32 s0, $0x0;
	s0 =	rddreg [dreg:$0x3]  }
0x326: {  	s0 =	sadd.s32 @!p0 $0x100000, s0  }
0x327: {  	[sflag:s0] =	ssyncadd.tile.s32 @!p0 $0x1;
	_ =	shalt  }
.Lfunc_end2:
_tile_overlayer_lowered:
.L_overlay_start_2:
0x328: {  	(tag) =	ssettag $0x2  }
0x329: {  	s0 =	rddreg [dreg:$0x0];
	s2 =	stileid.u32  }
0x32a: {  	s1 =	rddreg [dreg:$0x1];
	p0 =	sne.s32 s2, $0x0  }
0x32b: {  	s3 =	rddreg [dreg:$0x2];
	[bflag:$0x3] =	sbarrier.arrive $0xFFFF;
	s2 =	simm.s32 @!p0 $0x1C07  }
0x32c: {  	[timem:s3], [sflag:s2] =	dma.local @!p0 [hbm:s0], s1  }
0x32d: {  	s0 =	simm.s32 @!p0 $0x7  }
0x32e: {  	_ =	swait.ge @!p0 [sflag:s0], s1  }
0x32f: {  	s1 =	ssub.s32 @!p0 $0x0, s1;
	[sflag:s0] =	ssyncset.done @!p0 $0x0  }
0x330: {  	[sflag:s0] =	ssyncadd.s32 @!p0 s1  }
0x331: {  	[bflag:$0x3] =	sbarrier.arrive $0xFFFF  }
0x332: {  	_ =	shalt  }

</sc_bundles>
